<compile_context>
chip_gen: v7x
topology: tpu7x:2x2x1
jax: 0.10.2.dev20260603
libtpu: 0.0.44.dev20260713+nightly
codegen_flags: <defaults>
</compile_context>

<pallas_src>
import functools

import jax
import jax.numpy as jnp
from jax import lax
from jax.experimental import pallas as pl
from jax.experimental.pallas import tpu as pltpu
from jax.experimental.pallas import tpu_sc as plsc

_LANES = 16
_UNROLL = 8
_TR, _TC = 8, 128


def _xlane_take(x, perm):
    dnums = lax.GatherDimensionNumbers(
        offset_dims=(), collapsed_slice_dims=(0,), start_index_map=(0,))
    return lax.gather(x, perm[:, None], dnums, slice_sizes=(1,),
                      mode=lax.GatherScatterMode.PROMISE_IN_BOUNDS)


def _merge(m_a, i_a, m_b, i_b):
    take_b = (m_b > m_a) | ((m_b == m_a) & (i_b < i_a))
    return jnp.where(take_b, m_b, m_a), jnp.where(take_b, i_b, i_a)


def _make_argmax_sc(rows, cols, full_rows):
    info = plsc.get_sparse_core_info()
    ncores, nsub = info.num_cores, info.num_subcores
    nworkers = ncores * nsub
    assert rows % nworkers == 0 and rows % _TR == 0 and cols % _TC == 0
    rows_per = rows // nworkers
    assert rows_per <= 3
    assert cols % (_LANES * _UNROLL) == 0
    steps = cols // (_LANES * _UNROLL)
    segs = cols // _TC
    seg_per_step = (_LANES * _UNROLL) // _TC

    mesh = plsc.VectorSubcoreMesh(core_axis_name="c", subcore_axis_name="s")

    @functools.partial(
        pl.kernel,
        out_type=jax.ShapeDtypeStruct((rows, _LANES), jnp.int32),
        mesh=mesh,
        scratch_types=[
            [pltpu.VMEM((segs, _TC), jnp.float32) for _ in range(rows_per)],
            pltpu.VMEM((rows // nworkers, _LANES), jnp.int32),
            [pltpu.SemaphoreType.DMA for _ in range(rows_per)],
        ],
    )
    def argmax_sc(x_hbm, win_hbm, bufs, cols_v, sems):
        wid = lax.axis_index("c") * nsub + lax.axis_index("s")
        row0 = wid * rows_per

        def start_in(rr, buf, sem):
            return pltpu.async_copy(
                x_hbm.at[rr // _TR, :, rr % _TR, :], buf, sem)

        copies = [start_in(row0 + r, bufs[r], sems[r])
                  for r in range(rows_per)]

        lane = lax.iota(jnp.int32, _LANES)
        neg_inf = jnp.full((_LANES,), -jnp.inf, jnp.float32)
        zero_i = jnp.zeros((_LANES,), jnp.int32)

        def row_argmax(buf):
            def step(j, carry):
                ms, tags = carry
                new_ms, new_tags = [], []
                for u in range(_UNROLL):
                    v = buf[j * seg_per_step + u // (_TC // _LANES),
                            pl.ds((u % (_TC // _LANES)) * _LANES, _LANES)]
                    gt = v > ms[u]
                    new_ms.append(jnp.where(gt, v, ms[u]))
                    new_tags.append(jnp.where(gt, j, tags[u]))
                return tuple(new_ms), tuple(new_tags)

            init = ((neg_inf,) * _UNROLL, (zero_i,) * _UNROLL)
            ms, tags = lax.fori_loop(0, steps, step, init)

            pairs = [
                (ms[u], tags[u] * (_UNROLL * _LANES) + (u * _LANES) + lane)
                for u in range(_UNROLL)
            ]
            while len(pairs) > 1:
                nxt = []
                for p in range(0, len(pairs), 2):
                    nxt.append(_merge(*pairs[p], *pairs[p + 1]))
                pairs = nxt
            m, idx = pairs[0]

            for k in (8, 4, 2, 1):
                perm = lane ^ k
                m2 = _xlane_take(m, perm)
                i2 = _xlane_take(idx, perm)
                m, idx = _merge(m, idx, m2, i2)
            return idx

        for r in range(rows_per):
            copies[r].wait()
            cols_v[r, :] = row_argmax(bufs[r])

        pltpu.sync_copy(cols_v, win_hbm.at[pl.ds(row0, rows_per)])

    return argmax_sc


def _argmax_tc_body(rows_blk, cols):
    def body(x_ref, win_ref):
        x = x_ref[...]
        col_iota = lax.broadcasted_iota(jnp.int32, (rows_blk, cols), 1)
        m = jnp.max(x, axis=1, keepdims=True)
        idx = jnp.min(jnp.where(x == m, col_iota, cols), axis=1, keepdims=True)
        win_ref[...] = jnp.broadcast_to(idx, (rows_blk, _LANES))
    return body


def _make_argmax_tc(rows, cols, row_off, rows_blk=8):
    blk_off = row_off // rows_blk
    return pl.pallas_call(
        _argmax_tc_body(rows_blk, cols),
        grid=(rows // rows_blk,),
        in_specs=[pl.BlockSpec((rows_blk, cols), lambda i: (i + blk_off, 0))],
        out_specs=pl.BlockSpec((rows_blk, _LANES), lambda i: (i, 0)),
        out_shape=jax.ShapeDtypeStruct((rows, _LANES), jnp.int32),
    )


def _onehot_tc_body(rows_blk, cols, sc_blocks):
    def body(wsc_ref, wtc_ref, out_ref):
        i = pl.program_id(0)
        w = jnp.where(i < sc_blocks, wsc_ref[...], wtc_ref[...])[:, 0:1]
        col_iota = lax.broadcasted_iota(jnp.int32, (rows_blk, cols), 1)
        out_ref[...] = (col_iota == w).astype(jnp.float32)
    return body


def _make_onehot(rows, cols, sc_rows, rows_blk=32):
    sc_blocks = sc_rows // rows_blk
    return pl.pallas_call(
        _onehot_tc_body(rows_blk, cols, sc_blocks),
        grid=(rows // rows_blk,),
        in_specs=[
            pl.BlockSpec((rows_blk, _LANES), lambda i: (i % sc_blocks, 0)),
            pl.BlockSpec((rows_blk, _LANES),
                         lambda i: ((i - sc_blocks) % sc_blocks, 0)),
        ],
        out_specs=pl.BlockSpec((rows_blk, cols), lambda i: (i, 0)),
        out_shape=jax.ShapeDtypeStruct((rows, cols), jnp.float32),
    )


def kernel(tensor):
    rows, cols = tensor.shape
    split = rows // 2
    x4 = tensor.reshape(rows // _TR, _TR, cols // _TC, _TC).transpose(0, 2, 1, 3)
    win_sc = _make_argmax_sc(split, cols, rows)(x4)
    win_tc = _make_argmax_tc(split, cols, split)(tensor)
    return _make_onehot(rows, cols, split)(win_sc, win_tc)

# --- scband reference (transcript-rebuilt; emitter-appended) ---
"""Pipeline reference for scband-winner-take-all-27324581937265 (READ-ONLY COPY).

The authoritative reference and input builder live on the scoring server;
editing this copy changes nothing except your own understanding.
"""

import jax, jax.numpy as jnp
import numpy as np


def setup_inputs(seed: int = 0) -> dict:
    key = jax.random.key(seed)
    tensor = jax.random.normal(key, (128, 32768), dtype=jnp.float32)
    return {"tensor": tensor}


def reference(tensor):
    input_shape = tensor.shape
    flat = tensor.reshape(input_shape[0], -1)
    winners = jnp.argmax(flat, axis=1)
    out = jnp.zeros(flat.shape, dtype=flat.dtype)
    out = out.at[jnp.arange(flat.shape[0]), winners].set(1.0)
    return out.reshape(input_shape)

if __name__ == "__main__":
    import jax
    _d = setup_inputs()
    print(jax.jit(kernel)(*tuple(_d.values())))

</pallas_src>

<mosaic_0001>
#map = affine_map<(d0, d1) -> (0, 0, 0, 0)>
#map1 = affine_map<(d0, d1) -> (0, 0)>
module attributes {stable_mosaic.version = 14 : i64} {
  func.func @argmax_sc(%arg0: i32, %arg1: i32, %arg2: memref<16x256x8x128xf32, #tpu.memory_space<hbm>>, %arg3: memref<64x16xi32, #tpu.memory_space<hbm>>, %arg4: memref<256x128xf32, #tpu.memory_space<vmem>>, %arg5: memref<256x128xf32, #tpu.memory_space<vmem>>, %arg6: memref<2x16xi32, #tpu.memory_space<vmem>>, %arg7: memref<!tpu.dma_semaphore, #tpu.memory_space<semaphore_mem>>, %arg8: memref<!tpu.dma_semaphore, #tpu.memory_space<semaphore_mem>>) attributes {dimension_semantics = [#tpu.dimension_semantics<core_parallel>, #tpu.dimension_semantics<subcore_parallel>], iteration_bounds = array<i64: 2, 16>, scalar_prefetch = 0 : i64, scratch_operands = 5 : i64, tpu.core_type = #tpu.core_type<sc_vector_subcore>, window_params = [{transform_indices = #map}, {transform_indices = #map1}]} {
    %mul3A = arith.constant 16 : i32
    %mul3A_0 = arith.muli %arg0, %mul3A : i32
    %add3A = arith.addi %mul3A_0, %arg1 : i32
    %mul3A_1 = arith.constant 2 : i32
    %mul3A_2 = arith.muli %add3A, %mul3A_1 : i32
    %add3A_3 = arith.constant 0 : i32
    %add3A_4 = arith.addi %mul3A_2, %add3A_3 : i32
    %jit3A = arith.constant 8 : i32
    %div3A = arith.divsi %add3A_4, %jit3A : i32
    %sign3A = arith.constant 0 : i32
    %sign3A_5 = arith.cmpi sgt, %add3A_4, %sign3A : i32
    %sign3A_6 = arith.extui %sign3A_5 : i1 to i32
    %sign3A_7 = arith.constant 0 : i32
    %sign3A_8 = arith.cmpi slt, %add3A_4, %sign3A_7 : i32
    %sign3A_9 = arith.extui %sign3A_8 : i1 to i32
    %sign3A_10 = arith.subi %sign3A_6, %sign3A_9 : i32
    %sign3A_11 = arith.constant 0 : i32
    %sign3A_12 = arith.cmpi sgt, %jit3A, %sign3A_11 : i32
    %sign3A_13 = arith.extui %sign3A_12 : i1 to i32
    %sign3A_14 = arith.constant 0 : i32
    %sign3A_15 = arith.cmpi slt, %jit3A, %sign3A_14 : i32
    %sign3A_16 = arith.extui %sign3A_15 : i1 to i32
    %sign3A_17 = arith.subi %sign3A_13, %sign3A_16 : i32
    %ne3A = arith.cmpi ne, %sign3A_10, %sign3A_17 : i32
    %rem3A = arith.remsi %add3A_4, %jit3A : i32
    %ne3A_18 = arith.constant 0 : i32
    %ne3A_19 = arith.cmpi ne, %rem3A, %ne3A_18 : i32
    %and3A = arith.andi %ne3A, %ne3A_19 : i1
    %sub3A = arith.constant 1 : i32
    %sub3A_20 = arith.subi %div3A, %sub3A : i32
    %select_n3A = arith.select %and3A, %sub3A_20, %div3A : i32
    %jit3A_21 = arith.constant 8 : i32
    %eq3A = arith.constant 0 : i32
    %eq3A_22 = arith.cmpi eq, %jit3A_21, %eq3A : i32
    %jit3A_23 = arith.constant 1 : i32
    %select_n3A_24 = arith.select %eq3A_22, %jit3A_23, %jit3A_21 : i32
    %rem3A_25 = arith.remsi %add3A_4, %select_n3A_24 : i32
    %ne3A_26 = arith.constant 0 : i32
    %ne3A_27 = arith.cmpi ne, %rem3A_25, %ne3A_26 : i32
    %lt3A = arith.constant 0 : i32
    %lt3A_28 = arith.cmpi slt, %rem3A_25, %lt3A : i32
    %lt3A_29 = arith.constant 0 : i32
    %lt3A_30 = arith.cmpi slt, %select_n3A_24, %lt3A_29 : i32
    %ne3A_31 = arith.xori %lt3A_28, %lt3A_30 : i1
    %and3A_32 = arith.andi %ne3A_31, %ne3A_27 : i1
    %add3A_33 = arith.addi %rem3A_25, %select_n3A_24 : i32
    %select_n3A_34 = arith.select %and3A_32, %add3A_33, %rem3A_25 : i32
    %dma_start3A = arith.constant 0 : i32
    %dma_start3A_35 = arith.constant 0 : i32
    %dma_start3A_36 = tpu.memref_slice %arg2[%select_n3A, %dma_start3A, %select_n3A_34, %dma_start3A_35] : memref<16x256x8x128xf32, #tpu.memory_space<hbm>> -> memref<1x256x1x128xf32, #tpu.memory_space<hbm>>
    %dma_start3A_37 = tpu.memref_squeeze %dma_start3A_36 : memref<1x256x1x128xf32, #tpu.memory_space<hbm>> -> memref<256x128xf32, #tpu.memory_space<hbm>>
    %dma_start3A_38 = arith.constant 0 : i32
    %dma_start3A_39 = arith.constant 0 : i32
    %dma_start3A_40 = tpu.memref_slice %arg2[%select_n3A, %dma_start3A_38, %select_n3A_34, %dma_start3A_39] : memref<16x256x8x128xf32, #tpu.memory_space<hbm>> -> memref<1x256x1x128xf32, #tpu.memory_space<hbm>>
    %dma_start3A_41 = tpu.memref_squeeze %dma_start3A_40 : memref<1x256x1x128xf32, #tpu.memory_space<hbm>> -> memref<256x128xf32, #tpu.memory_space<hbm>>
    tpu.enqueue_dma source(%dma_start3A_41 : memref<256x128xf32, #tpu.memory_space<hbm>>) target(%arg4 : memref<256x128xf32, #tpu.memory_space<vmem>>) target_semaphore(%arg7 : memref<!tpu.dma_semaphore, #tpu.memory_space<semaphore_mem>>)
    %add3A_42 = arith.constant 1 : i32
    %add3A_43 = arith.addi %mul3A_2, %add3A_42 : i32
    %jit3A_44 = arith.constant 8 : i32
    %div3A_45 = arith.divsi %add3A_43, %jit3A_44 : i32
    %sign3A_46 = arith.constant 0 : i32
    %sign3A_47 = arith.cmpi sgt, %add3A_43, %sign3A_46 : i32
    %sign3A_48 = arith.extui %sign3A_47 : i1 to i32
    %sign3A_49 = arith.constant 0 : i32
    %sign3A_50 = arith.cmpi slt, %add3A_43, %sign3A_49 : i32
    %sign3A_51 = arith.extui %sign3A_50 : i1 to i32
    %sign3A_52 = arith.subi %sign3A_48, %sign3A_51 : i32
    %sign3A_53 = arith.constant 0 : i32
    %sign3A_54 = arith.cmpi sgt, %jit3A_44, %sign3A_53 : i32
    %sign3A_55 = arith.extui %sign3A_54 : i1 to i32
    %sign3A_56 = arith.constant 0 : i32
    %sign3A_57 = arith.cmpi slt, %jit3A_44, %sign3A_56 : i32
    %sign3A_58 = arith.extui %sign3A_57 : i1 to i32
    %sign3A_59 = arith.subi %sign3A_55, %sign3A_58 : i32
    %ne3A_60 = arith.cmpi ne, %sign3A_52, %sign3A_59 : i32
    %rem3A_61 = arith.remsi %add3A_43, %jit3A_44 : i32
    %ne3A_62 = arith.constant 0 : i32
    %ne3A_63 = arith.cmpi ne, %rem3A_61, %ne3A_62 : i32
    %and3A_64 = arith.andi %ne3A_60, %ne3A_63 : i1
    %sub3A_65 = arith.constant 1 : i32
    %sub3A_66 = arith.subi %div3A_45, %sub3A_65 : i32
    %select_n3A_67 = arith.select %and3A_64, %sub3A_66, %div3A_45 : i32
    %jit3A_68 = arith.constant 8 : i32
    %eq3A_69 = arith.constant 0 : i32
    %eq3A_70 = arith.cmpi eq, %jit3A_68, %eq3A_69 : i32
    %jit3A_71 = arith.constant 1 : i32
    %select_n3A_72 = arith.select %eq3A_70, %jit3A_71, %jit3A_68 : i32
    %rem3A_73 = arith.remsi %add3A_43, %select_n3A_72 : i32
    %ne3A_74 = arith.constant 0 : i32
    %ne3A_75 = arith.cmpi ne, %rem3A_73, %ne3A_74 : i32
    %lt3A_76 = arith.constant 0 : i32
    %lt3A_77 = arith.cmpi slt, %rem3A_73, %lt3A_76 : i32
    %lt3A_78 = arith.constant 0 : i32
    %lt3A_79 = arith.cmpi slt, %select_n3A_72, %lt3A_78 : i32
    %ne3A_80 = arith.xori %lt3A_77, %lt3A_79 : i1
    %and3A_81 = arith.andi %ne3A_80, %ne3A_75 : i1
    %add3A_82 = arith.addi %rem3A_73, %select_n3A_72 : i32
    %select_n3A_83 = arith.select %and3A_81, %add3A_82, %rem3A_73 : i32
    %dma_start3A_84 = arith.constant 0 : i32
    %dma_start3A_85 = arith.constant 0 : i32
    %dma_start3A_86 = tpu.memref_slice %arg2[%select_n3A_67, %dma_start3A_84, %select_n3A_83, %dma_start3A_85] : memref<16x256x8x128xf32, #tpu.memory_space<hbm>> -> memref<1x256x1x128xf32, #tpu.memory_space<hbm>>
    %dma_start3A_87 = tpu.memref_squeeze %dma_start3A_86 : memref<1x256x1x128xf32, #tpu.memory_space<hbm>> -> memref<256x128xf32, #tpu.memory_space<hbm>>
    %dma_start3A_88 = arith.constant 0 : i32
    %dma_start3A_89 = arith.constant 0 : i32
    %dma_start3A_90 = tpu.memref_slice %arg2[%select_n3A_67, %dma_start3A_88, %select_n3A_83, %dma_start3A_89] : memref<16x256x8x128xf32, #tpu.memory_space<hbm>> -> memref<1x256x1x128xf32, #tpu.memory_space<hbm>>
    %dma_start3A_91 = tpu.memref_squeeze %dma_start3A_90 : memref<1x256x1x128xf32, #tpu.memory_space<hbm>> -> memref<256x128xf32, #tpu.memory_space<hbm>>
    tpu.enqueue_dma source(%dma_start3A_91 : memref<256x128xf32, #tpu.memory_space<hbm>>) target(%arg5 : memref<256x128xf32, #tpu.memory_space<vmem>>) target_semaphore(%arg8 : memref<!tpu.dma_semaphore, #tpu.memory_space<semaphore_mem>>)
    %iota3A = tpu.iota {dimensions = array<i32: 0>} : vector<16xi32>
    %broadcast_in_dim3A = arith.constant 0xFF800000 : f32
    %broadcast_in_dim3A_92 = vector.broadcast %broadcast_in_dim3A : f32 to vector<16xf32>
    %broadcast_in_dim3A_93 = arith.constant 0 : i32
    %broadcast_in_dim3A_94 = vector.broadcast %broadcast_in_dim3A_93 : i32 to vector<16xi32>
    %dma_wait3A = arith.constant 0 : i32
    %dma_wait3A_95 = arith.constant 0 : i32
    %dma_wait3A_96 = tpu.memref_slice %arg2[%select_n3A, %dma_wait3A, %select_n3A_34, %dma_wait3A_95] : memref<16x256x8x128xf32, #tpu.memory_space<hbm>> -> memref<1x256x1x128xf32, #tpu.memory_space<hbm>>
    %dma_wait3A_97 = tpu.memref_squeeze %dma_wait3A_96 : memref<1x256x1x128xf32, #tpu.memory_space<hbm>> -> memref<256x128xf32, #tpu.memory_space<hbm>>
    %dma_wait3A_98 = arith.constant 0 : i32
    %dma_wait3A_99 = arith.constant 0 : i32
    %dma_wait3A_100 = tpu.memref_slice %arg2[%select_n3A, %dma_wait3A_98, %select_n3A_34, %dma_wait3A_99] : memref<16x256x8x128xf32, #tpu.memory_space<hbm>> -> memref<1x256x1x128xf32, #tpu.memory_space<hbm>>
    %dma_wait3A_101 = tpu.memref_squeeze %dma_wait3A_100 : memref<1x256x1x128xf32, #tpu.memory_space<hbm>> -> memref<256x128xf32, #tpu.memory_space<hbm>>
    tpu.wait_dma2 semaphore(%arg7 : memref<!tpu.dma_semaphore, #tpu.memory_space<semaphore_mem>>) src(%dma_wait3A_101 : memref<256x128xf32, #tpu.memory_space<hbm>>) dst(%arg4 : memref<256x128xf32, #tpu.memory_space<vmem>>)
    %scan3A = arith.constant 0 : i32
    %scan3A_102 = arith.constant 256 : i32
    %scan3A_103 = arith.addi %scan3A, %scan3A_102 : i32
    %scan3A_104 = arith.constant 1 : i32
    %scan3A_105:16 = scf.for %scan3A_466 = %scan3A to %scan3A_103 step %scan3A_104 iter_args(%scan3A_467 = %broadcast_in_dim3A_92, %scan3A_468 = %broadcast_in_dim3A_92, %scan3A_469 = %broadcast_in_dim3A_92, %scan3A_470 = %broadcast_in_dim3A_92, %scan3A_471 = %broadcast_in_dim3A_92, %scan3A_472 = %broadcast_in_dim3A_92, %scan3A_473 = %broadcast_in_dim3A_92, %scan3A_474 = %broadcast_in_dim3A_92, %scan3A_475 = %broadcast_in_dim3A_94, %scan3A_476 = %broadcast_in_dim3A_94, %scan3A_477 = %broadcast_in_dim3A_94, %scan3A_478 = %broadcast_in_dim3A_94, %scan3A_479 = %broadcast_in_dim3A_94, %scan3A_480 = %broadcast_in_dim3A_94, %scan3A_481 = %broadcast_in_dim3A_94, %scan3A_482 = %broadcast_in_dim3A_94) -> (vector<16xf32>, vector<16xf32>, vector<16xf32>, vector<16xf32>, vector<16xf32>, vector<16xf32>, vector<16xf32>, vector<16xf32>, vector<16xi32>, vector<16xi32>, vector<16xi32>, vector<16xi32>, vector<16xi32>, vector<16xi32>, vector<16xi32>, vector<16xi32>)  : i32 {
      %mul3A_483 = arith.constant 1 : i32
      %mul3A_484 = arith.muli %scan3A_466, %mul3A_483 : i32
      %add3A_485 = arith.constant 0 : i32
      %add3A_486 = arith.addi %mul3A_484, %add3A_485 : i32
      %get3A = arith.index_cast %add3A_486 : i32 to index
      %get3A_487 = arith.constant 0 : index
      %get3A_488 = tpu.vector_load %arg4[%get3A, %get3A_487] {strides = array<i32>} : memref<256x128xf32, #tpu.memory_space<vmem>>, vector<1x16xf32>,
      %get3A_489 = vector.shape_cast %get3A_488 : vector<1x16xf32> to vector<16xf32>
      %gt3A_490 = arith.cmpf ogt, %get3A_489, %scan3A_467 : vector<16xf32>
      %select_n3A_491 = arith.select %gt3A_490, %get3A_489, %scan3A_467 : vector<16xi1>, vector<16xf32>
      %broadcast_in_dim3A_492 = vector.broadcast %scan3A_466 : i32 to vector<16xi32>
      %select_n3A_493 = arith.select %gt3A_490, %broadcast_in_dim3A_492, %scan3A_475 : vector<16xi1>, vector<16xi32>
      %mul3A_494 = arith.constant 1 : i32
      %mul3A_495 = arith.muli %scan3A_466, %mul3A_494 : i32
      %add3A_496 = arith.constant 0 : i32
      %add3A_497 = arith.addi %mul3A_495, %add3A_496 : i32
      %get3A_498 = arith.index_cast %add3A_497 : i32 to index
      %get3A_499 = arith.constant 16 : index
      %get3A_500 = tpu.vector_load %arg4[%get3A_498, %get3A_499] {strides = array<i32>} : memref<256x128xf32, #tpu.memory_space<vmem>>, vector<1x16xf32>,
      %get3A_501 = vector.shape_cast %get3A_500 : vector<1x16xf32> to vector<16xf32>
      %gt3A_502 = arith.cmpf ogt, %get3A_501, %scan3A_468 : vector<16xf32>
      %select_n3A_503 = arith.select %gt3A_502, %get3A_501, %scan3A_468 : vector<16xi1>, vector<16xf32>
      %broadcast_in_dim3A_504 = vector.broadcast %scan3A_466 : i32 to vector<16xi32>
      %select_n3A_505 = arith.select %gt3A_502, %broadcast_in_dim3A_504, %scan3A_476 : vector<16xi1>, vector<16xi32>
      %mul3A_506 = arith.constant 1 : i32
      %mul3A_507 = arith.muli %scan3A_466, %mul3A_506 : i32
      %add3A_508 = arith.constant 0 : i32
      %add3A_509 = arith.addi %mul3A_507, %add3A_508 : i32
      %get3A_510 = arith.index_cast %add3A_509 : i32 to index
      %get3A_511 = arith.constant 32 : index
      %get3A_512 = tpu.vector_load %arg4[%get3A_510, %get3A_511] {strides = array<i32>} : memref<256x128xf32, #tpu.memory_space<vmem>>, vector<1x16xf32>,
      %get3A_513 = vector.shape_cast %get3A_512 : vector<1x16xf32> to vector<16xf32>
      %gt3A_514 = arith.cmpf ogt, %get3A_513, %scan3A_469 : vector<16xf32>
      %select_n3A_515 = arith.select %gt3A_514, %get3A_513, %scan3A_469 : vector<16xi1>, vector<16xf32>
      %broadcast_in_dim3A_516 = vector.broadcast %scan3A_466 : i32 to vector<16xi32>
      %select_n3A_517 = arith.select %gt3A_514, %broadcast_in_dim3A_516, %scan3A_477 : vector<16xi1>, vector<16xi32>
      %mul3A_518 = arith.constant 1 : i32
      %mul3A_519 = arith.muli %scan3A_466, %mul3A_518 : i32
      %add3A_520 = arith.constant 0 : i32
      %add3A_521 = arith.addi %mul3A_519, %add3A_520 : i32
      %get3A_522 = arith.index_cast %add3A_521 : i32 to index
      %get3A_523 = arith.constant 48 : index
      %get3A_524 = tpu.vector_load %arg4[%get3A_522, %get3A_523] {strides = array<i32>} : memref<256x128xf32, #tpu.memory_space<vmem>>, vector<1x16xf32>,
      %get3A_525 = vector.shape_cast %get3A_524 : vector<1x16xf32> to vector<16xf32>
      %gt3A_526 = arith.cmpf ogt, %get3A_525, %scan3A_470 : vector<16xf32>
      %select_n3A_527 = arith.select %gt3A_526, %get3A_525, %scan3A_470 : vector<16xi1>, vector<16xf32>
      %broadcast_in_dim3A_528 = vector.broadcast %scan3A_466 : i32 to vector<16xi32>
      %select_n3A_529 = arith.select %gt3A_526, %broadcast_in_dim3A_528, %scan3A_478 : vector<16xi1>, vector<16xi32>
      %mul3A_530 = arith.constant 1 : i32
      %mul3A_531 = arith.muli %scan3A_466, %mul3A_530 : i32
      %add3A_532 = arith.constant 0 : i32
      %add3A_533 = arith.addi %mul3A_531, %add3A_532 : i32
      %get3A_534 = arith.index_cast %add3A_533 : i32 to index
      %get3A_535 = arith.constant 64 : index
      %get3A_536 = tpu.vector_load %arg4[%get3A_534, %get3A_535] {strides = array<i32>} : memref<256x128xf32, #tpu.memory_space<vmem>>, vector<1x16xf32>,
      %get3A_537 = vector.shape_cast %get3A_536 : vector<1x16xf32> to vector<16xf32>
      %gt3A_538 = arith.cmpf ogt, %get3A_537, %scan3A_471 : vector<16xf32>
      %select_n3A_539 = arith.select %gt3A_538, %get3A_537, %scan3A_471 : vector<16xi1>, vector<16xf32>
      %broadcast_in_dim3A_540 = vector.broadcast %scan3A_466 : i32 to vector<16xi32>
      %select_n3A_541 = arith.select %gt3A_538, %broadcast_in_dim3A_540, %scan3A_479 : vector<16xi1>, vector<16xi32>
      %mul3A_542 = arith.constant 1 : i32
      %mul3A_543 = arith.muli %scan3A_466, %mul3A_542 : i32
      %add3A_544 = arith.constant 0 : i32
      %add3A_545 = arith.addi %mul3A_543, %add3A_544 : i32
      %get3A_546 = arith.index_cast %add3A_545 : i32 to index
      %get3A_547 = arith.constant 80 : index
      %get3A_548 = tpu.vector_load %arg4[%get3A_546, %get3A_547] {strides = array<i32>} : memref<256x128xf32, #tpu.memory_space<vmem>>, vector<1x16xf32>,
      %get3A_549 = vector.shape_cast %get3A_548 : vector<1x16xf32> to vector<16xf32>
      %gt3A_550 = arith.cmpf ogt, %get3A_549, %scan3A_472 : vector<16xf32>
      %select_n3A_551 = arith.select %gt3A_550, %get3A_549, %scan3A_472 : vector<16xi1>, vector<16xf32>
      %broadcast_in_dim3A_552 = vector.broadcast %scan3A_466 : i32 to vector<16xi32>
      %select_n3A_553 = arith.select %gt3A_550, %broadcast_in_dim3A_552, %scan3A_480 : vector<16xi1>, vector<16xi32>
      %mul3A_554 = arith.constant 1 : i32
      %mul3A_555 = arith.muli %scan3A_466, %mul3A_554 : i32
      %add3A_556 = arith.constant 0 : i32
      %add3A_557 = arith.addi %mul3A_555, %add3A_556 : i32
      %get3A_558 = arith.index_cast %add3A_557 : i32 to index
      %get3A_559 = arith.constant 96 : index
      %get3A_560 = tpu.vector_load %arg4[%get3A_558, %get3A_559] {strides = array<i32>} : memref<256x128xf32, #tpu.memory_space<vmem>>, vector<1x16xf32>,
      %get3A_561 = vector.shape_cast %get3A_560 : vector<1x16xf32> to vector<16xf32>
      %gt3A_562 = arith.cmpf ogt, %get3A_561, %scan3A_473 : vector<16xf32>
      %select_n3A_563 = arith.select %gt3A_562, %get3A_561, %scan3A_473 : vector<16xi1>, vector<16xf32>
      %broadcast_in_dim3A_564 = vector.broadcast %scan3A_466 : i32 to vector<16xi32>
      %select_n3A_565 = arith.select %gt3A_562, %broadcast_in_dim3A_564, %scan3A_481 : vector<16xi1>, vector<16xi32>
      %mul3A_566 = arith.constant 1 : i32
      %mul3A_567 = arith.muli %scan3A_466, %mul3A_566 : i32
      %add3A_568 = arith.constant 0 : i32
      %add3A_569 = arith.addi %mul3A_567, %add3A_568 : i32
      %get3A_570 = arith.index_cast %add3A_569 : i32 to index
      %get3A_571 = arith.constant 112 : index
      %get3A_572 = tpu.vector_load %arg4[%get3A_570, %get3A_571] {strides = array<i32>} : memref<256x128xf32, #tpu.memory_space<vmem>>, vector<1x16xf32>,
      %get3A_573 = vector.shape_cast %get3A_572 : vector<1x16xf32> to vector<16xf32>
      %gt3A_574 = arith.cmpf ogt, %get3A_573, %scan3A_474 : vector<16xf32>
      %select_n3A_575 = arith.select %gt3A_574, %get3A_573, %scan3A_474 : vector<16xi1>, vector<16xf32>
      %broadcast_in_dim3A_576 = vector.broadcast %scan3A_466 : i32 to vector<16xi32>
      %select_n3A_577 = arith.select %gt3A_574, %broadcast_in_dim3A_576, %scan3A_482 : vector<16xi1>, vector<16xi32>
      scf.yield %select_n3A_491, %select_n3A_503, %select_n3A_515, %select_n3A_527, %select_n3A_539, %select_n3A_551, %select_n3A_563, %select_n3A_575, %select_n3A_493, %select_n3A_505, %select_n3A_517, %select_n3A_529, %select_n3A_541, %select_n3A_553, %select_n3A_565, %select_n3A_577 : vector<16xf32>, vector<16xf32>, vector<16xf32>, vector<16xf32>, vector<16xf32>, vector<16xf32>, vector<16xf32>, vector<16xf32>, vector<16xi32>, vector<16xi32>, vector<16xi32>, vector<16xi32>, vector<16xi32>, vector<16xi32>, vector<16xi32>, vector<16xi32>
    }
    %scan3A_106 = arith.constant 256 : i32
    %mul3A_107 = arith.constant 128 : i32
    %mul3A_108 = vector.broadcast %mul3A_107 : i32 to vector<16xi32>
    %mul3A_109 = arith.muli %scan3A_105#8, %mul3A_108 : vector<16xi32>
    %add3A_110 = arith.constant 0 : i32
    %add3A_111 = vector.broadcast %add3A_110 : i32 to vector<16xi32>
    %add3A_112 = arith.addi %mul3A_109, %add3A_111 : vector<16xi32>
    %add3A_113 = arith.addi %add3A_112, %iota3A : vector<16xi32>
    %mul3A_114 = arith.constant 128 : i32
    %mul3A_115 = vector.broadcast %mul3A_114 : i32 to vector<16xi32>
    %mul3A_116 = arith.muli %scan3A_105#9, %mul3A_115 : vector<16xi32>
    %add3A_117 = arith.constant 16 : i32
    %add3A_118 = vector.broadcast %add3A_117 : i32 to vector<16xi32>
    %add3A_119 = arith.addi %mul3A_116, %add3A_118 : vector<16xi32>
    %add3A_120 = arith.addi %add3A_119, %iota3A : vector<16xi32>
    %mul3A_121 = arith.constant 128 : i32
    %mul3A_122 = vector.broadcast %mul3A_121 : i32 to vector<16xi32>
    %mul3A_123 = arith.muli %scan3A_105#10, %mul3A_122 : vector<16xi32>
    %add3A_124 = arith.constant 32 : i32
    %add3A_125 = vector.broadcast %add3A_124 : i32 to vector<16xi32>
    %add3A_126 = arith.addi %mul3A_123, %add3A_125 : vector<16xi32>
    %add3A_127 = arith.addi %add3A_126, %iota3A : vector<16xi32>
    %mul3A_128 = arith.constant 128 : i32
    %mul3A_129 = vector.broadcast %mul3A_128 : i32 to vector<16xi32>
    %mul3A_130 = arith.muli %scan3A_105#11, %mul3A_129 : vector<16xi32>
    %add3A_131 = arith.constant 48 : i32
    %add3A_132 = vector.broadcast %add3A_131 : i32 to vector<16xi32>
    %add3A_133 = arith.addi %mul3A_130, %add3A_132 : vector<16xi32>
    %add3A_134 = arith.addi %add3A_133, %iota3A : vector<16xi32>
    %mul3A_135 = arith.constant 128 : i32
    %mul3A_136 = vector.broadcast %mul3A_135 : i32 to vector<16xi32>
    %mul3A_137 = arith.muli %scan3A_105#12, %mul3A_136 : vector<16xi32>
    %add3A_138 = arith.constant 64 : i32
    %add3A_139 = vector.broadcast %add3A_138 : i32 to vector<16xi32>
    %add3A_140 = arith.addi %mul3A_137, %add3A_139 : vector<16xi32>
    %add3A_141 = arith.addi %add3A_140, %iota3A : vector<16xi32>
    %mul3A_142 = arith.constant 128 : i32
    %mul3A_143 = vector.broadcast %mul3A_142 : i32 to vector<16xi32>
    %mul3A_144 = arith.muli %scan3A_105#13, %mul3A_143 : vector<16xi32>
    %add3A_145 = arith.constant 80 : i32
    %add3A_146 = vector.broadcast %add3A_145 : i32 to vector<16xi32>
    %add3A_147 = arith.addi %mul3A_144, %add3A_146 : vector<16xi32>
    %add3A_148 = arith.addi %add3A_147, %iota3A : vector<16xi32>
    %mul3A_149 = arith.constant 128 : i32
    %mul3A_150 = vector.broadcast %mul3A_149 : i32 to vector<16xi32>
    %mul3A_151 = arith.muli %scan3A_105#14, %mul3A_150 : vector<16xi32>
    %add3A_152 = arith.constant 96 : i32
    %add3A_153 = vector.broadcast %add3A_152 : i32 to vector<16xi32>
    %add3A_154 = arith.addi %mul3A_151, %add3A_153 : vector<16xi32>
    %add3A_155 = arith.addi %add3A_154, %iota3A : vector<16xi32>
    %mul3A_156 = arith.constant 128 : i32
    %mul3A_157 = vector.broadcast %mul3A_156 : i32 to vector<16xi32>
    %mul3A_158 = arith.muli %scan3A_105#15, %mul3A_157 : vector<16xi32>
    %add3A_159 = arith.constant 112 : i32
    %add3A_160 = vector.broadcast %add3A_159 : i32 to vector<16xi32>
    %add3A_161 = arith.addi %mul3A_158, %add3A_160 : vector<16xi32>
    %add3A_162 = arith.addi %add3A_161, %iota3A : vector<16xi32>
    %gt3A = arith.cmpf ogt, %scan3A_105#1, %scan3A_105#0 : vector<16xf32>
    %eq3A_163 = arith.cmpf oeq, %scan3A_105#1, %scan3A_105#0 : vector<16xf32>
    %lt3A_164 = arith.cmpi slt, %add3A_120, %add3A_113 : vector<16xi32>
    %and3A_165 = arith.andi %eq3A_163, %lt3A_164 : vector<16xi1>
    %or3A = arith.ori %gt3A, %and3A_165 : vector<16xi1>
    %select_n3A_166 = arith.select %or3A, %scan3A_105#1, %scan3A_105#0 : vector<16xi1>, vector<16xf32>
    %select_n3A_167 = arith.select %or3A, %add3A_120, %add3A_113 : vector<16xi1>, vector<16xi32>
    %gt3A_168 = arith.cmpf ogt, %scan3A_105#3, %scan3A_105#2 : vector<16xf32>
    %eq3A_169 = arith.cmpf oeq, %scan3A_105#3, %scan3A_105#2 : vector<16xf32>
    %lt3A_170 = arith.cmpi slt, %add3A_134, %add3A_127 : vector<16xi32>
    %and3A_171 = arith.andi %eq3A_169, %lt3A_170 : vector<16xi1>
    %or3A_172 = arith.ori %gt3A_168, %and3A_171 : vector<16xi1>
    %select_n3A_173 = arith.select %or3A_172, %scan3A_105#3, %scan3A_105#2 : vector<16xi1>, vector<16xf32>
    %select_n3A_174 = arith.select %or3A_172, %add3A_134, %add3A_127 : vector<16xi1>, vector<16xi32>
    %gt3A_175 = arith.cmpf ogt, %scan3A_105#5, %scan3A_105#4 : vector<16xf32>
    %eq3A_176 = arith.cmpf oeq, %scan3A_105#5, %scan3A_105#4 : vector<16xf32>
    %lt3A_177 = arith.cmpi slt, %add3A_148, %add3A_141 : vector<16xi32>
    %and3A_178 = arith.andi %eq3A_176, %lt3A_177 : vector<16xi1>
    %or3A_179 = arith.ori %gt3A_175, %and3A_178 : vector<16xi1>
    %select_n3A_180 = arith.select %or3A_179, %scan3A_105#5, %scan3A_105#4 : vector<16xi1>, vector<16xf32>
    %select_n3A_181 = arith.select %or3A_179, %add3A_148, %add3A_141 : vector<16xi1>, vector<16xi32>
    %gt3A_182 = arith.cmpf ogt, %scan3A_105#7, %scan3A_105#6 : vector<16xf32>
    %eq3A_183 = arith.cmpf oeq, %scan3A_105#7, %scan3A_105#6 : vector<16xf32>
    %lt3A_184 = arith.cmpi slt, %add3A_162, %add3A_155 : vector<16xi32>
    %and3A_185 = arith.andi %eq3A_183, %lt3A_184 : vector<16xi1>
    %or3A_186 = arith.ori %gt3A_182, %and3A_185 : vector<16xi1>
    %select_n3A_187 = arith.select %or3A_186, %scan3A_105#7, %scan3A_105#6 : vector<16xi1>, vector<16xf32>
    %select_n3A_188 = arith.select %or3A_186, %add3A_162, %add3A_155 : vector<16xi1>, vector<16xi32>
    %gt3A_189 = arith.cmpf ogt, %select_n3A_173, %select_n3A_166 : vector<16xf32>
    %eq3A_190 = arith.cmpf oeq, %select_n3A_173, %select_n3A_166 : vector<16xf32>
    %lt3A_191 = arith.cmpi slt, %select_n3A_174, %select_n3A_167 : vector<16xi32>
    %and3A_192 = arith.andi %eq3A_190, %lt3A_191 : vector<16xi1>
    %or3A_193 = arith.ori %gt3A_189, %and3A_192 : vector<16xi1>
    %select_n3A_194 = arith.select %or3A_193, %select_n3A_173, %select_n3A_166 : vector<16xi1>, vector<16xf32>
    %select_n3A_195 = arith.select %or3A_193, %select_n3A_174, %select_n3A_167 : vector<16xi1>, vector<16xi32>
    %gt3A_196 = arith.cmpf ogt, %select_n3A_187, %select_n3A_180 : vector<16xf32>
    %eq3A_197 = arith.cmpf oeq, %select_n3A_187, %select_n3A_180 : vector<16xf32>
    %lt3A_198 = arith.cmpi slt, %select_n3A_188, %select_n3A_181 : vector<16xi32>
    %and3A_199 = arith.andi %eq3A_197, %lt3A_198 : vector<16xi1>
    %or3A_200 = arith.ori %gt3A_196, %and3A_199 : vector<16xi1>
    %select_n3A_201 = arith.select %or3A_200, %select_n3A_187, %select_n3A_180 : vector<16xi1>, vector<16xf32>
    %select_n3A_202 = arith.select %or3A_200, %select_n3A_188, %select_n3A_181 : vector<16xi1>, vector<16xi32>
    %gt3A_203 = arith.cmpf ogt, %select_n3A_201, %select_n3A_194 : vector<16xf32>
    %eq3A_204 = arith.cmpf oeq, %select_n3A_201, %select_n3A_194 : vector<16xf32>
    %lt3A_205 = arith.cmpi slt, %select_n3A_202, %select_n3A_195 : vector<16xi32>
    %and3A_206 = arith.andi %eq3A_204, %lt3A_205 : vector<16xi1>
    %or3A_207 = arith.ori %gt3A_203, %and3A_206 : vector<16xi1>
    %select_n3A_208 = arith.select %or3A_207, %select_n3A_201, %select_n3A_194 : vector<16xi1>, vector<16xf32>
    %select_n3A_209 = arith.select %or3A_207, %select_n3A_202, %select_n3A_195 : vector<16xi1>, vector<16xi32>
    %xor3A = arith.constant 8 : i32
    %xor3A_210 = vector.broadcast %xor3A : i32 to vector<16xi32>
    %xor3A_211 = arith.xori %iota3A, %xor3A_210 : vector<16xi32>
    %broadcast_in_dim3A_212 = vector.shape_cast %xor3A_211 : vector<16xi32> to vector<16x1xi32>
    %gather3A = vector.shape_cast %broadcast_in_dim3A_212 : vector<16x1xi32> to vector<16xi32>
    %gather3A_213 = tpu.dynamic_gather %select_n3A_208[%gather3A] in [0] : vector<16xf32>, vector<16xi32> -> vector<16xf32>
    %broadcast_in_dim3A_214 = vector.shape_cast %xor3A_211 : vector<16xi32> to vector<16x1xi32>
    %gather3A_215 = vector.shape_cast %broadcast_in_dim3A_214 : vector<16x1xi32> to vector<16xi32>
    %gather3A_216 = tpu.dynamic_gather %select_n3A_209[%gather3A_215] in [0] : vector<16xi32>, vector<16xi32> -> vector<16xi32>
    %gt3A_217 = arith.cmpf ogt, %gather3A_213, %select_n3A_208 : vector<16xf32>
    %eq3A_218 = arith.cmpf oeq, %gather3A_213, %select_n3A_208 : vector<16xf32>
    %lt3A_219 = arith.cmpi slt, %gather3A_216, %select_n3A_209 : vector<16xi32>
    %and3A_220 = arith.andi %eq3A_218, %lt3A_219 : vector<16xi1>
    %or3A_221 = arith.ori %gt3A_217, %and3A_220 : vector<16xi1>
    %select_n3A_222 = arith.select %or3A_221, %gather3A_213, %select_n3A_208 : vector<16xi1>, vector<16xf32>
    %select_n3A_223 = arith.select %or3A_221, %gather3A_216, %select_n3A_209 : vector<16xi1>, vector<16xi32>
    %xor3A_224 = arith.constant 4 : i32
    %xor3A_225 = vector.broadcast %xor3A_224 : i32 to vector<16xi32>
    %xor3A_226 = arith.xori %iota3A, %xor3A_225 : vector<16xi32>
    %broadcast_in_dim3A_227 = vector.shape_cast %xor3A_226 : vector<16xi32> to vector<16x1xi32>
    %gather3A_228 = vector.shape_cast %broadcast_in_dim3A_227 : vector<16x1xi32> to vector<16xi32>
    %gather3A_229 = tpu.dynamic_gather %select_n3A_222[%gather3A_228] in [0] : vector<16xf32>, vector<16xi32> -> vector<16xf32>
    %broadcast_in_dim3A_230 = vector.shape_cast %xor3A_226 : vector<16xi32> to vector<16x1xi32>
    %gather3A_231 = vector.shape_cast %broadcast_in_dim3A_230 : vector<16x1xi32> to vector<16xi32>
    %gather3A_232 = tpu.dynamic_gather %select_n3A_223[%gather3A_231] in [0] : vector<16xi32>, vector<16xi32> -> vector<16xi32>
    %gt3A_233 = arith.cmpf ogt, %gather3A_229, %select_n3A_222 : vector<16xf32>
    %eq3A_234 = arith.cmpf oeq, %gather3A_229, %select_n3A_222 : vector<16xf32>
    %lt3A_235 = arith.cmpi slt, %gather3A_232, %select_n3A_223 : vector<16xi32>
    %and3A_236 = arith.andi %eq3A_234, %lt3A_235 : vector<16xi1>
    %or3A_237 = arith.ori %gt3A_233, %and3A_236 : vector<16xi1>
    %select_n3A_238 = arith.select %or3A_237, %gather3A_229, %select_n3A_222 : vector<16xi1>, vector<16xf32>
    %select_n3A_239 = arith.select %or3A_237, %gather3A_232, %select_n3A_223 : vector<16xi1>, vector<16xi32>
    %xor3A_240 = arith.constant 2 : i32
    %xor3A_241 = vector.broadcast %xor3A_240 : i32 to vector<16xi32>
    %xor3A_242 = arith.xori %iota3A, %xor3A_241 : vector<16xi32>
    %broadcast_in_dim3A_243 = vector.shape_cast %xor3A_242 : vector<16xi32> to vector<16x1xi32>
    %gather3A_244 = vector.shape_cast %broadcast_in_dim3A_243 : vector<16x1xi32> to vector<16xi32>
    %gather3A_245 = tpu.dynamic_gather %select_n3A_238[%gather3A_244] in [0] : vector<16xf32>, vector<16xi32> -> vector<16xf32>
    %broadcast_in_dim3A_246 = vector.shape_cast %xor3A_242 : vector<16xi32> to vector<16x1xi32>
    %gather3A_247 = vector.shape_cast %broadcast_in_dim3A_246 : vector<16x1xi32> to vector<16xi32>
    %gather3A_248 = tpu.dynamic_gather %select_n3A_239[%gather3A_247] in [0] : vector<16xi32>, vector<16xi32> -> vector<16xi32>
    %gt3A_249 = arith.cmpf ogt, %gather3A_245, %select_n3A_238 : vector<16xf32>
    %eq3A_250 = arith.cmpf oeq, %gather3A_245, %select_n3A_238 : vector<16xf32>
    %lt3A_251 = arith.cmpi slt, %gather3A_248, %select_n3A_239 : vector<16xi32>
    %and3A_252 = arith.andi %eq3A_250, %lt3A_251 : vector<16xi1>
    %or3A_253 = arith.ori %gt3A_249, %and3A_252 : vector<16xi1>
    %select_n3A_254 = arith.select %or3A_253, %gather3A_245, %select_n3A_238 : vector<16xi1>, vector<16xf32>
    %select_n3A_255 = arith.select %or3A_253, %gather3A_248, %select_n3A_239 : vector<16xi1>, vector<16xi32>
    %xor3A_256 = arith.constant 1 : i32
    %xor3A_257 = vector.broadcast %xor3A_256 : i32 to vector<16xi32>
    %xor3A_258 = arith.xori %iota3A, %xor3A_257 : vector<16xi32>
    %broadcast_in_dim3A_259 = vector.shape_cast %xor3A_258 : vector<16xi32> to vector<16x1xi32>
    %gather3A_260 = vector.shape_cast %broadcast_in_dim3A_259 : vector<16x1xi32> to vector<16xi32>
    %gather3A_261 = tpu.dynamic_gather %select_n3A_254[%gather3A_260] in [0] : vector<16xf32>, vector<16xi32> -> vector<16xf32>
    %broadcast_in_dim3A_262 = vector.shape_cast %xor3A_258 : vector<16xi32> to vector<16x1xi32>
    %gather3A_263 = vector.shape_cast %broadcast_in_dim3A_262 : vector<16x1xi32> to vector<16xi32>
    %gather3A_264 = tpu.dynamic_gather %select_n3A_255[%gather3A_263] in [0] : vector<16xi32>, vector<16xi32> -> vector<16xi32>
    %gt3A_265 = arith.cmpf ogt, %gather3A_261, %select_n3A_254 : vector<16xf32>
    %eq3A_266 = arith.cmpf oeq, %gather3A_261, %select_n3A_254 : vector<16xf32>
    %lt3A_267 = arith.cmpi slt, %gather3A_264, %select_n3A_255 : vector<16xi32>
    %and3A_268 = arith.andi %eq3A_266, %lt3A_267 : vector<16xi1>
    %or3A_269 = arith.ori %gt3A_265, %and3A_268 : vector<16xi1>
    %select_n3A_270 = arith.select %or3A_269, %gather3A_261, %select_n3A_254 : vector<16xi1>, vector<16xf32>
    %select_n3A_271 = arith.select %or3A_269, %gather3A_264, %select_n3A_255 : vector<16xi1>, vector<16xi32>
    %swap3A = arith.constant 0 : i32
    %swap3A_272 = arith.index_cast %swap3A : i32 to index
    %swap3A_273 = arith.constant 0 : index
    %swap3A_274 = tpu.vector_load %arg6[%swap3A_272, %swap3A_273] {strides = array<i32>} : memref<2x16xi32, #tpu.memory_space<vmem>>, vector<1x16xi32>,
    %swap3A_275 = vector.shape_cast %swap3A_274 : vector<1x16xi32> to vector<16xi32>
    %swap3A_276 = vector.shape_cast %select_n3A_271 : vector<16xi32> to vector<1x16xi32>
    tpu.vector_store %arg6[%swap3A_272, %swap3A_273], %swap3A_276 {strides = array<i32>} : memref<2x16xi32, #tpu.memory_space<vmem>>, vector<1x16xi32>,
    %dma_wait3A_277 = arith.constant 0 : i32
    %dma_wait3A_278 = arith.constant 0 : i32
    %dma_wait3A_279 = tpu.memref_slice %arg2[%select_n3A_67, %dma_wait3A_277, %select_n3A_83, %dma_wait3A_278] : memref<16x256x8x128xf32, #tpu.memory_space<hbm>> -> memref<1x256x1x128xf32, #tpu.memory_space<hbm>>
    %dma_wait3A_280 = tpu.memref_squeeze %dma_wait3A_279 : memref<1x256x1x128xf32, #tpu.memory_space<hbm>> -> memref<256x128xf32, #tpu.memory_space<hbm>>
    %dma_wait3A_281 = arith.constant 0 : i32
    %dma_wait3A_282 = arith.constant 0 : i32
    %dma_wait3A_283 = tpu.memref_slice %arg2[%select_n3A_67, %dma_wait3A_281, %select_n3A_83, %dma_wait3A_282] : memref<16x256x8x128xf32, #tpu.memory_space<hbm>> -> memref<1x256x1x128xf32, #tpu.memory_space<hbm>>
    %dma_wait3A_284 = tpu.memref_squeeze %dma_wait3A_283 : memref<1x256x1x128xf32, #tpu.memory_space<hbm>> -> memref<256x128xf32, #tpu.memory_space<hbm>>
    tpu.wait_dma2 semaphore(%arg8 : memref<!tpu.dma_semaphore, #tpu.memory_space<semaphore_mem>>) src(%dma_wait3A_284 : memref<256x128xf32, #tpu.memory_space<hbm>>) dst(%arg5 : memref<256x128xf32, #tpu.memory_space<vmem>>)
    %scan3A_285 = arith.constant 0 : i32
    %scan3A_286 = arith.constant 256 : i32
    %scan3A_287 = arith.addi %scan3A_285, %scan3A_286 : i32
    %scan3A_288 = arith.constant 1 : i32
    %scan3A_289:16 = scf.for %scan3A_466 = %scan3A_285 to %scan3A_287 step %scan3A_288 iter_args(%scan3A_467 = %broadcast_in_dim3A_92, %scan3A_468 = %broadcast_in_dim3A_92, %scan3A_469 = %broadcast_in_dim3A_92, %scan3A_470 = %broadcast_in_dim3A_92, %scan3A_471 = %broadcast_in_dim3A_92, %scan3A_472 = %broadcast_in_dim3A_92, %scan3A_473 = %broadcast_in_dim3A_92, %scan3A_474 = %broadcast_in_dim3A_92, %scan3A_475 = %broadcast_in_dim3A_94, %scan3A_476 = %broadcast_in_dim3A_94, %scan3A_477 = %broadcast_in_dim3A_94, %scan3A_478 = %broadcast_in_dim3A_94, %scan3A_479 = %broadcast_in_dim3A_94, %scan3A_480 = %broadcast_in_dim3A_94, %scan3A_481 = %broadcast_in_dim3A_94, %scan3A_482 = %broadcast_in_dim3A_94) -> (vector<16xf32>, vector<16xf32>, vector<16xf32>, vector<16xf32>, vector<16xf32>, vector<16xf32>, vector<16xf32>, vector<16xf32>, vector<16xi32>, vector<16xi32>, vector<16xi32>, vector<16xi32>, vector<16xi32>, vector<16xi32>, vector<16xi32>, vector<16xi32>)  : i32 {
      %mul3A_483 = arith.constant 1 : i32
      %mul3A_484 = arith.muli %scan3A_466, %mul3A_483 : i32
      %add3A_485 = arith.constant 0 : i32
      %add3A_486 = arith.addi %mul3A_484, %add3A_485 : i32
      %get3A = arith.index_cast %add3A_486 : i32 to index
      %get3A_487 = arith.constant 0 : index
      %get3A_488 = tpu.vector_load %arg5[%get3A, %get3A_487] {strides = array<i32>} : memref<256x128xf32, #tpu.memory_space<vmem>>, vector<1x16xf32>,
      %get3A_489 = vector.shape_cast %get3A_488 : vector<1x16xf32> to vector<16xf32>
      %gt3A_490 = arith.cmpf ogt, %get3A_489, %scan3A_467 : vector<16xf32>
      %select_n3A_491 = arith.select %gt3A_490, %get3A_489, %scan3A_467 : vector<16xi1>, vector<16xf32>
      %broadcast_in_dim3A_492 = vector.broadcast %scan3A_466 : i32 to vector<16xi32>
      %select_n3A_493 = arith.select %gt3A_490, %broadcast_in_dim3A_492, %scan3A_475 : vector<16xi1>, vector<16xi32>
      %mul3A_494 = arith.constant 1 : i32
      %mul3A_495 = arith.muli %scan3A_466, %mul3A_494 : i32
      %add3A_496 = arith.constant 0 : i32
      %add3A_497 = arith.addi %mul3A_495, %add3A_496 : i32
      %get3A_498 = arith.index_cast %add3A_497 : i32 to index
      %get3A_499 = arith.constant 16 : index
      %get3A_500 = tpu.vector_load %arg5[%get3A_498, %get3A_499] {strides = array<i32>} : memref<256x128xf32, #tpu.memory_space<vmem>>, vector<1x16xf32>,
      %get3A_501 = vector.shape_cast %get3A_500 : vector<1x16xf32> to vector<16xf32>
      %gt3A_502 = arith.cmpf ogt, %get3A_501, %scan3A_468 : vector<16xf32>
      %select_n3A_503 = arith.select %gt3A_502, %get3A_501, %scan3A_468 : vector<16xi1>, vector<16xf32>
      %broadcast_in_dim3A_504 = vector.broadcast %scan3A_466 : i32 to vector<16xi32>
      %select_n3A_505 = arith.select %gt3A_502, %broadcast_in_dim3A_504, %scan3A_476 : vector<16xi1>, vector<16xi32>
      %mul3A_506 = arith.constant 1 : i32
      %mul3A_507 = arith.muli %scan3A_466, %mul3A_506 : i32
      %add3A_508 = arith.constant 0 : i32
      %add3A_509 = arith.addi %mul3A_507, %add3A_508 : i32
      %get3A_510 = arith.index_cast %add3A_509 : i32 to index
      %get3A_511 = arith.constant 32 : index
      %get3A_512 = tpu.vector_load %arg5[%get3A_510, %get3A_511] {strides = array<i32>} : memref<256x128xf32, #tpu.memory_space<vmem>>, vector<1x16xf32>,
      %get3A_513 = vector.shape_cast %get3A_512 : vector<1x16xf32> to vector<16xf32>
      %gt3A_514 = arith.cmpf ogt, %get3A_513, %scan3A_469 : vector<16xf32>
      %select_n3A_515 = arith.select %gt3A_514, %get3A_513, %scan3A_469 : vector<16xi1>, vector<16xf32>
      %broadcast_in_dim3A_516 = vector.broadcast %scan3A_466 : i32 to vector<16xi32>
      %select_n3A_517 = arith.select %gt3A_514, %broadcast_in_dim3A_516, %scan3A_477 : vector<16xi1>, vector<16xi32>
      %mul3A_518 = arith.constant 1 : i32
      %mul3A_519 = arith.muli %scan3A_466, %mul3A_518 : i32
      %add3A_520 = arith.constant 0 : i32
      %add3A_521 = arith.addi %mul3A_519, %add3A_520 : i32
      %get3A_522 = arith.index_cast %add3A_521 : i32 to index
      %get3A_523 = arith.constant 48 : index
      %get3A_524 = tpu.vector_load %arg5[%get3A_522, %get3A_523] {strides = array<i32>} : memref<256x128xf32, #tpu.memory_space<vmem>>, vector<1x16xf32>,
      %get3A_525 = vector.shape_cast %get3A_524 : vector<1x16xf32> to vector<16xf32>
      %gt3A_526 = arith.cmpf ogt, %get3A_525, %scan3A_470 : vector<16xf32>
      %select_n3A_527 = arith.select %gt3A_526, %get3A_525, %scan3A_470 : vector<16xi1>, vector<16xf32>
      %broadcast_in_dim3A_528 = vector.broadcast %scan3A_466 : i32 to vector<16xi32>
      %select_n3A_529 = arith.select %gt3A_526, %broadcast_in_dim3A_528, %scan3A_478 : vector<16xi1>, vector<16xi32>
      %mul3A_530 = arith.constant 1 : i32
      %mul3A_531 = arith.muli %scan3A_466, %mul3A_530 : i32
      %add3A_532 = arith.constant 0 : i32
      %add3A_533 = arith.addi %mul3A_531, %add3A_532 : i32
      %get3A_534 = arith.index_cast %add3A_533 : i32 to index
      %get3A_535 = arith.constant 64 : index
      %get3A_536 = tpu.vector_load %arg5[%get3A_534, %get3A_535] {strides = array<i32>} : memref<256x128xf32, #tpu.memory_space<vmem>>, vector<1x16xf32>,
      %get3A_537 = vector.shape_cast %get3A_536 : vector<1x16xf32> to vector<16xf32>
      %gt3A_538 = arith.cmpf ogt, %get3A_537, %scan3A_471 : vector<16xf32>
      %select_n3A_539 = arith.select %gt3A_538, %get3A_537, %scan3A_471 : vector<16xi1>, vector<16xf32>
      %broadcast_in_dim3A_540 = vector.broadcast %scan3A_466 : i32 to vector<16xi32>
      %select_n3A_541 = arith.select %gt3A_538, %broadcast_in_dim3A_540, %scan3A_479 : vector<16xi1>, vector<16xi32>
      %mul3A_542 = arith.constant 1 : i32
      %mul3A_543 = arith.muli %scan3A_466, %mul3A_542 : i32
      %add3A_544 = arith.constant 0 : i32
      %add3A_545 = arith.addi %mul3A_543, %add3A_544 : i32
      %get3A_546 = arith.index_cast %add3A_545 : i32 to index
      %get3A_547 = arith.constant 80 : index
      %get3A_548 = tpu.vector_load %arg5[%get3A_546, %get3A_547] {strides = array<i32>} : memref<256x128xf32, #tpu.memory_space<vmem>>, vector<1x16xf32>,
      %get3A_549 = vector.shape_cast %get3A_548 : vector<1x16xf32> to vector<16xf32>
      %gt3A_550 = arith.cmpf ogt, %get3A_549, %scan3A_472 : vector<16xf32>
      %select_n3A_551 = arith.select %gt3A_550, %get3A_549, %scan3A_472 : vector<16xi1>, vector<16xf32>
      %broadcast_in_dim3A_552 = vector.broadcast %scan3A_466 : i32 to vector<16xi32>
      %select_n3A_553 = arith.select %gt3A_550, %broadcast_in_dim3A_552, %scan3A_480 : vector<16xi1>, vector<16xi32>
      %mul3A_554 = arith.constant 1 : i32
      %mul3A_555 = arith.muli %scan3A_466, %mul3A_554 : i32
      %add3A_556 = arith.constant 0 : i32
      %add3A_557 = arith.addi %mul3A_555, %add3A_556 : i32
      %get3A_558 = arith.index_cast %add3A_557 : i32 to index
      %get3A_559 = arith.constant 96 : index
      %get3A_560 = tpu.vector_load %arg5[%get3A_558, %get3A_559] {strides = array<i32>} : memref<256x128xf32, #tpu.memory_space<vmem>>, vector<1x16xf32>,
      %get3A_561 = vector.shape_cast %get3A_560 : vector<1x16xf32> to vector<16xf32>
      %gt3A_562 = arith.cmpf ogt, %get3A_561, %scan3A_473 : vector<16xf32>
      %select_n3A_563 = arith.select %gt3A_562, %get3A_561, %scan3A_473 : vector<16xi1>, vector<16xf32>
      %broadcast_in_dim3A_564 = vector.broadcast %scan3A_466 : i32 to vector<16xi32>
      %select_n3A_565 = arith.select %gt3A_562, %broadcast_in_dim3A_564, %scan3A_481 : vector<16xi1>, vector<16xi32>
      %mul3A_566 = arith.constant 1 : i32
      %mul3A_567 = arith.muli %scan3A_466, %mul3A_566 : i32
      %add3A_568 = arith.constant 0 : i32
      %add3A_569 = arith.addi %mul3A_567, %add3A_568 : i32
      %get3A_570 = arith.index_cast %add3A_569 : i32 to index
      %get3A_571 = arith.constant 112 : index
      %get3A_572 = tpu.vector_load %arg5[%get3A_570, %get3A_571] {strides = array<i32>} : memref<256x128xf32, #tpu.memory_space<vmem>>, vector<1x16xf32>,
      %get3A_573 = vector.shape_cast %get3A_572 : vector<1x16xf32> to vector<16xf32>
      %gt3A_574 = arith.cmpf ogt, %get3A_573, %scan3A_474 : vector<16xf32>
      %select_n3A_575 = arith.select %gt3A_574, %get3A_573, %scan3A_474 : vector<16xi1>, vector<16xf32>
      %broadcast_in_dim3A_576 = vector.broadcast %scan3A_466 : i32 to vector<16xi32>
      %select_n3A_577 = arith.select %gt3A_574, %broadcast_in_dim3A_576, %scan3A_482 : vector<16xi1>, vector<16xi32>
      scf.yield %select_n3A_491, %select_n3A_503, %select_n3A_515, %select_n3A_527, %select_n3A_539, %select_n3A_551, %select_n3A_563, %select_n3A_575, %select_n3A_493, %select_n3A_505, %select_n3A_517, %select_n3A_529, %select_n3A_541, %select_n3A_553, %select_n3A_565, %select_n3A_577 : vector<16xf32>, vector<16xf32>, vector<16xf32>, vector<16xf32>, vector<16xf32>, vector<16xf32>, vector<16xf32>, vector<16xf32>, vector<16xi32>, vector<16xi32>, vector<16xi32>, vector<16xi32>, vector<16xi32>, vector<16xi32>, vector<16xi32>, vector<16xi32>
    }
    %scan3A_290 = arith.constant 256 : i32
    %mul3A_291 = arith.constant 128 : i32
    %mul3A_292 = vector.broadcast %mul3A_291 : i32 to vector<16xi32>
    %mul3A_293 = arith.muli %scan3A_289#8, %mul3A_292 : vector<16xi32>
    %add3A_294 = arith.constant 0 : i32
    %add3A_295 = vector.broadcast %add3A_294 : i32 to vector<16xi32>
    %add3A_296 = arith.addi %mul3A_293, %add3A_295 : vector<16xi32>
    %add3A_297 = arith.addi %add3A_296, %iota3A : vector<16xi32>
    %mul3A_298 = arith.constant 128 : i32
    %mul3A_299 = vector.broadcast %mul3A_298 : i32 to vector<16xi32>
    %mul3A_300 = arith.muli %scan3A_289#9, %mul3A_299 : vector<16xi32>
    %add3A_301 = arith.constant 16 : i32
    %add3A_302 = vector.broadcast %add3A_301 : i32 to vector<16xi32>
    %add3A_303 = arith.addi %mul3A_300, %add3A_302 : vector<16xi32>
    %add3A_304 = arith.addi %add3A_303, %iota3A : vector<16xi32>
    %mul3A_305 = arith.constant 128 : i32
    %mul3A_306 = vector.broadcast %mul3A_305 : i32 to vector<16xi32>
    %mul3A_307 = arith.muli %scan3A_289#10, %mul3A_306 : vector<16xi32>
    %add3A_308 = arith.constant 32 : i32
    %add3A_309 = vector.broadcast %add3A_308 : i32 to vector<16xi32>
    %add3A_310 = arith.addi %mul3A_307, %add3A_309 : vector<16xi32>
    %add3A_311 = arith.addi %add3A_310, %iota3A : vector<16xi32>
    %mul3A_312 = arith.constant 128 : i32
    %mul3A_313 = vector.broadcast %mul3A_312 : i32 to vector<16xi32>
    %mul3A_314 = arith.muli %scan3A_289#11, %mul3A_313 : vector<16xi32>
    %add3A_315 = arith.constant 48 : i32
    %add3A_316 = vector.broadcast %add3A_315 : i32 to vector<16xi32>
    %add3A_317 = arith.addi %mul3A_314, %add3A_316 : vector<16xi32>
    %add3A_318 = arith.addi %add3A_317, %iota3A : vector<16xi32>
    %mul3A_319 = arith.constant 128 : i32
    %mul3A_320 = vector.broadcast %mul3A_319 : i32 to vector<16xi32>
    %mul3A_321 = arith.muli %scan3A_289#12, %mul3A_320 : vector<16xi32>
    %add3A_322 = arith.constant 64 : i32
    %add3A_323 = vector.broadcast %add3A_322 : i32 to vector<16xi32>
    %add3A_324 = arith.addi %mul3A_321, %add3A_323 : vector<16xi32>
    %add3A_325 = arith.addi %add3A_324, %iota3A : vector<16xi32>
    %mul3A_326 = arith.constant 128 : i32
    %mul3A_327 = vector.broadcast %mul3A_326 : i32 to vector<16xi32>
    %mul3A_328 = arith.muli %scan3A_289#13, %mul3A_327 : vector<16xi32>
    %add3A_329 = arith.constant 80 : i32
    %add3A_330 = vector.broadcast %add3A_329 : i32 to vector<16xi32>
    %add3A_331 = arith.addi %mul3A_328, %add3A_330 : vector<16xi32>
    %add3A_332 = arith.addi %add3A_331, %iota3A : vector<16xi32>
    %mul3A_333 = arith.constant 128 : i32
    %mul3A_334 = vector.broadcast %mul3A_333 : i32 to vector<16xi32>
    %mul3A_335 = arith.muli %scan3A_289#14, %mul3A_334 : vector<16xi32>
    %add3A_336 = arith.constant 96 : i32
    %add3A_337 = vector.broadcast %add3A_336 : i32 to vector<16xi32>
    %add3A_338 = arith.addi %mul3A_335, %add3A_337 : vector<16xi32>
    %add3A_339 = arith.addi %add3A_338, %iota3A : vector<16xi32>
    %mul3A_340 = arith.constant 128 : i32
    %mul3A_341 = vector.broadcast %mul3A_340 : i32 to vector<16xi32>
    %mul3A_342 = arith.muli %scan3A_289#15, %mul3A_341 : vector<16xi32>
    %add3A_343 = arith.constant 112 : i32
    %add3A_344 = vector.broadcast %add3A_343 : i32 to vector<16xi32>
    %add3A_345 = arith.addi %mul3A_342, %add3A_344 : vector<16xi32>
    %add3A_346 = arith.addi %add3A_345, %iota3A : vector<16xi32>
    %gt3A_347 = arith.cmpf ogt, %scan3A_289#1, %scan3A_289#0 : vector<16xf32>
    %eq3A_348 = arith.cmpf oeq, %scan3A_289#1, %scan3A_289#0 : vector<16xf32>
    %lt3A_349 = arith.cmpi slt, %add3A_304, %add3A_297 : vector<16xi32>
    %and3A_350 = arith.andi %eq3A_348, %lt3A_349 : vector<16xi1>
    %or3A_351 = arith.ori %gt3A_347, %and3A_350 : vector<16xi1>
    %select_n3A_352 = arith.select %or3A_351, %scan3A_289#1, %scan3A_289#0 : vector<16xi1>, vector<16xf32>
    %select_n3A_353 = arith.select %or3A_351, %add3A_304, %add3A_297 : vector<16xi1>, vector<16xi32>
    %gt3A_354 = arith.cmpf ogt, %scan3A_289#3, %scan3A_289#2 : vector<16xf32>
    %eq3A_355 = arith.cmpf oeq, %scan3A_289#3, %scan3A_289#2 : vector<16xf32>
    %lt3A_356 = arith.cmpi slt, %add3A_318, %add3A_311 : vector<16xi32>
    %and3A_357 = arith.andi %eq3A_355, %lt3A_356 : vector<16xi1>
    %or3A_358 = arith.ori %gt3A_354, %and3A_357 : vector<16xi1>
    %select_n3A_359 = arith.select %or3A_358, %scan3A_289#3, %scan3A_289#2 : vector<16xi1>, vector<16xf32>
    %select_n3A_360 = arith.select %or3A_358, %add3A_318, %add3A_311 : vector<16xi1>, vector<16xi32>
    %gt3A_361 = arith.cmpf ogt, %scan3A_289#5, %scan3A_289#4 : vector<16xf32>
    %eq3A_362 = arith.cmpf oeq, %scan3A_289#5, %scan3A_289#4 : vector<16xf32>
    %lt3A_363 = arith.cmpi slt, %add3A_332, %add3A_325 : vector<16xi32>
    %and3A_364 = arith.andi %eq3A_362, %lt3A_363 : vector<16xi1>
    %or3A_365 = arith.ori %gt3A_361, %and3A_364 : vector<16xi1>
    %select_n3A_366 = arith.select %or3A_365, %scan3A_289#5, %scan3A_289#4 : vector<16xi1>, vector<16xf32>
    %select_n3A_367 = arith.select %or3A_365, %add3A_332, %add3A_325 : vector<16xi1>, vector<16xi32>
    %gt3A_368 = arith.cmpf ogt, %scan3A_289#7, %scan3A_289#6 : vector<16xf32>
    %eq3A_369 = arith.cmpf oeq, %scan3A_289#7, %scan3A_289#6 : vector<16xf32>
    %lt3A_370 = arith.cmpi slt, %add3A_346, %add3A_339 : vector<16xi32>
    %and3A_371 = arith.andi %eq3A_369, %lt3A_370 : vector<16xi1>
    %or3A_372 = arith.ori %gt3A_368, %and3A_371 : vector<16xi1>
    %select_n3A_373 = arith.select %or3A_372, %scan3A_289#7, %scan3A_289#6 : vector<16xi1>, vector<16xf32>
    %select_n3A_374 = arith.select %or3A_372, %add3A_346, %add3A_339 : vector<16xi1>, vector<16xi32>
    %gt3A_375 = arith.cmpf ogt, %select_n3A_359, %select_n3A_352 : vector<16xf32>
    %eq3A_376 = arith.cmpf oeq, %select_n3A_359, %select_n3A_352 : vector<16xf32>
    %lt3A_377 = arith.cmpi slt, %select_n3A_360, %select_n3A_353 : vector<16xi32>
    %and3A_378 = arith.andi %eq3A_376, %lt3A_377 : vector<16xi1>
    %or3A_379 = arith.ori %gt3A_375, %and3A_378 : vector<16xi1>
    %select_n3A_380 = arith.select %or3A_379, %select_n3A_359, %select_n3A_352 : vector<16xi1>, vector<16xf32>
    %select_n3A_381 = arith.select %or3A_379, %select_n3A_360, %select_n3A_353 : vector<16xi1>, vector<16xi32>
    %gt3A_382 = arith.cmpf ogt, %select_n3A_373, %select_n3A_366 : vector<16xf32>
    %eq3A_383 = arith.cmpf oeq, %select_n3A_373, %select_n3A_366 : vector<16xf32>
    %lt3A_384 = arith.cmpi slt, %select_n3A_374, %select_n3A_367 : vector<16xi32>
    %and3A_385 = arith.andi %eq3A_383, %lt3A_384 : vector<16xi1>
    %or3A_386 = arith.ori %gt3A_382, %and3A_385 : vector<16xi1>
    %select_n3A_387 = arith.select %or3A_386, %select_n3A_373, %select_n3A_366 : vector<16xi1>, vector<16xf32>
    %select_n3A_388 = arith.select %or3A_386, %select_n3A_374, %select_n3A_367 : vector<16xi1>, vector<16xi32>
    %gt3A_389 = arith.cmpf ogt, %select_n3A_387, %select_n3A_380 : vector<16xf32>
    %eq3A_390 = arith.cmpf oeq, %select_n3A_387, %select_n3A_380 : vector<16xf32>
    %lt3A_391 = arith.cmpi slt, %select_n3A_388, %select_n3A_381 : vector<16xi32>
    %and3A_392 = arith.andi %eq3A_390, %lt3A_391 : vector<16xi1>
    %or3A_393 = arith.ori %gt3A_389, %and3A_392 : vector<16xi1>
    %select_n3A_394 = arith.select %or3A_393, %select_n3A_387, %select_n3A_380 : vector<16xi1>, vector<16xf32>
    %select_n3A_395 = arith.select %or3A_393, %select_n3A_388, %select_n3A_381 : vector<16xi1>, vector<16xi32>
    %xor3A_396 = arith.constant 8 : i32
    %xor3A_397 = vector.broadcast %xor3A_396 : i32 to vector<16xi32>
    %xor3A_398 = arith.xori %iota3A, %xor3A_397 : vector<16xi32>
    %broadcast_in_dim3A_399 = vector.shape_cast %xor3A_398 : vector<16xi32> to vector<16x1xi32>
    %gather3A_400 = vector.shape_cast %broadcast_in_dim3A_399 : vector<16x1xi32> to vector<16xi32>
    %gather3A_401 = tpu.dynamic_gather %select_n3A_394[%gather3A_400] in [0] : vector<16xf32>, vector<16xi32> -> vector<16xf32>
    %broadcast_in_dim3A_402 = vector.shape_cast %xor3A_398 : vector<16xi32> to vector<16x1xi32>
    %gather3A_403 = vector.shape_cast %broadcast_in_dim3A_402 : vector<16x1xi32> to vector<16xi32>
    %gather3A_404 = tpu.dynamic_gather %select_n3A_395[%gather3A_403] in [0] : vector<16xi32>, vector<16xi32> -> vector<16xi32>
    %gt3A_405 = arith.cmpf ogt, %gather3A_401, %select_n3A_394 : vector<16xf32>
    %eq3A_406 = arith.cmpf oeq, %gather3A_401, %select_n3A_394 : vector<16xf32>
    %lt3A_407 = arith.cmpi slt, %gather3A_404, %select_n3A_395 : vector<16xi32>
    %and3A_408 = arith.andi %eq3A_406, %lt3A_407 : vector<16xi1>
    %or3A_409 = arith.ori %gt3A_405, %and3A_408 : vector<16xi1>
    %select_n3A_410 = arith.select %or3A_409, %gather3A_401, %select_n3A_394 : vector<16xi1>, vector<16xf32>
    %select_n3A_411 = arith.select %or3A_409, %gather3A_404, %select_n3A_395 : vector<16xi1>, vector<16xi32>
    %xor3A_412 = arith.constant 4 : i32
    %xor3A_413 = vector.broadcast %xor3A_412 : i32 to vector<16xi32>
    %xor3A_414 = arith.xori %iota3A, %xor3A_413 : vector<16xi32>
    %broadcast_in_dim3A_415 = vector.shape_cast %xor3A_414 : vector<16xi32> to vector<16x1xi32>
    %gather3A_416 = vector.shape_cast %broadcast_in_dim3A_415 : vector<16x1xi32> to vector<16xi32>
    %gather3A_417 = tpu.dynamic_gather %select_n3A_410[%gather3A_416] in [0] : vector<16xf32>, vector<16xi32> -> vector<16xf32>
    %broadcast_in_dim3A_418 = vector.shape_cast %xor3A_414 : vector<16xi32> to vector<16x1xi32>
    %gather3A_419 = vector.shape_cast %broadcast_in_dim3A_418 : vector<16x1xi32> to vector<16xi32>
    %gather3A_420 = tpu.dynamic_gather %select_n3A_411[%gather3A_419] in [0] : vector<16xi32>, vector<16xi32> -> vector<16xi32>
    %gt3A_421 = arith.cmpf ogt, %gather3A_417, %select_n3A_410 : vector<16xf32>
    %eq3A_422 = arith.cmpf oeq, %gather3A_417, %select_n3A_410 : vector<16xf32>
    %lt3A_423 = arith.cmpi slt, %gather3A_420, %select_n3A_411 : vector<16xi32>
    %and3A_424 = arith.andi %eq3A_422, %lt3A_423 : vector<16xi1>
    %or3A_425 = arith.ori %gt3A_421, %and3A_424 : vector<16xi1>
    %select_n3A_426 = arith.select %or3A_425, %gather3A_417, %select_n3A_410 : vector<16xi1>, vector<16xf32>
    %select_n3A_427 = arith.select %or3A_425, %gather3A_420, %select_n3A_411 : vector<16xi1>, vector<16xi32>
    %xor3A_428 = arith.constant 2 : i32
    %xor3A_429 = vector.broadcast %xor3A_428 : i32 to vector<16xi32>
    %xor3A_430 = arith.xori %iota3A, %xor3A_429 : vector<16xi32>
    %broadcast_in_dim3A_431 = vector.shape_cast %xor3A_430 : vector<16xi32> to vector<16x1xi32>
    %gather3A_432 = vector.shape_cast %broadcast_in_dim3A_431 : vector<16x1xi32> to vector<16xi32>
    %gather3A_433 = tpu.dynamic_gather %select_n3A_426[%gather3A_432] in [0] : vector<16xf32>, vector<16xi32> -> vector<16xf32>
    %broadcast_in_dim3A_434 = vector.shape_cast %xor3A_430 : vector<16xi32> to vector<16x1xi32>
    %gather3A_435 = vector.shape_cast %broadcast_in_dim3A_434 : vector<16x1xi32> to vector<16xi32>
    %gather3A_436 = tpu.dynamic_gather %select_n3A_427[%gather3A_435] in [0] : vector<16xi32>, vector<16xi32> -> vector<16xi32>
    %gt3A_437 = arith.cmpf ogt, %gather3A_433, %select_n3A_426 : vector<16xf32>
    %eq3A_438 = arith.cmpf oeq, %gather3A_433, %select_n3A_426 : vector<16xf32>
    %lt3A_439 = arith.cmpi slt, %gather3A_436, %select_n3A_427 : vector<16xi32>
    %and3A_440 = arith.andi %eq3A_438, %lt3A_439 : vector<16xi1>
    %or3A_441 = arith.ori %gt3A_437, %and3A_440 : vector<16xi1>
    %select_n3A_442 = arith.select %or3A_441, %gather3A_433, %select_n3A_426 : vector<16xi1>, vector<16xf32>
    %select_n3A_443 = arith.select %or3A_441, %gather3A_436, %select_n3A_427 : vector<16xi1>, vector<16xi32>
    %xor3A_444 = arith.constant 1 : i32
    %xor3A_445 = vector.broadcast %xor3A_444 : i32 to vector<16xi32>
    %xor3A_446 = arith.xori %iota3A, %xor3A_445 : vector<16xi32>
    %broadcast_in_dim3A_447 = vector.shape_cast %xor3A_446 : vector<16xi32> to vector<16x1xi32>
    %gather3A_448 = vector.shape_cast %broadcast_in_dim3A_447 : vector<16x1xi32> to vector<16xi32>
    %gather3A_449 = tpu.dynamic_gather %select_n3A_442[%gather3A_448] in [0] : vector<16xf32>, vector<16xi32> -> vector<16xf32>
    %broadcast_in_dim3A_450 = vector.shape_cast %xor3A_446 : vector<16xi32> to vector<16x1xi32>
    %gather3A_451 = vector.shape_cast %broadcast_in_dim3A_450 : vector<16x1xi32> to vector<16xi32>
    %gather3A_452 = tpu.dynamic_gather %select_n3A_443[%gather3A_451] in [0] : vector<16xi32>, vector<16xi32> -> vector<16xi32>
    %gt3A_453 = arith.cmpf ogt, %gather3A_449, %select_n3A_442 : vector<16xf32>
    %eq3A_454 = arith.cmpf oeq, %gather3A_449, %select_n3A_442 : vector<16xf32>
    %lt3A_455 = arith.cmpi slt, %gather3A_452, %select_n3A_443 : vector<16xi32>
    %and3A_456 = arith.andi %eq3A_454, %lt3A_455 : vector<16xi1>
    %or3A_457 = arith.ori %gt3A_453, %and3A_456 : vector<16xi1>
    %select_n3A_458 = arith.select %or3A_457, %gather3A_449, %select_n3A_442 : vector<16xi1>, vector<16xf32>
    %select_n3A_459 = arith.select %or3A_457, %gather3A_452, %select_n3A_443 : vector<16xi1>, vector<16xi32>
    %swap3A_460 = arith.constant 1 : i32
    %swap3A_461 = arith.index_cast %swap3A_460 : i32 to index
    %swap3A_462 = arith.constant 0 : index
    %swap3A_463 = tpu.vector_load %arg6[%swap3A_461, %swap3A_462] {strides = array<i32>} : memref<2x16xi32, #tpu.memory_space<vmem>>, vector<1x16xi32>,
    %swap3A_464 = vector.shape_cast %swap3A_463 : vector<1x16xi32> to vector<16xi32>
    %swap3A_465 = vector.shape_cast %select_n3A_459 : vector<16xi32> to vector<1x16xi32>
    tpu.vector_store %arg6[%swap3A_461, %swap3A_462], %swap3A_465 {strides = array<i32>} : memref<2x16xi32, #tpu.memory_space<vmem>>, vector<1x16xi32>,
    "tpu.region"() ({
      %run_scoped3A = tpu.sem_alloc : memref<!tpu.dma_semaphore, #tpu.memory_space<semaphore_mem>>
      %dma_start3A_466 = arith.constant 0 : i32
      %dma_start3A_467 = tpu.memref_slice %arg3[%mul3A_2, %dma_start3A_466] : memref<64x16xi32, #tpu.memory_space<hbm>> -> memref<2x16xi32, #tpu.memory_space<hbm>>
      %dma_start3A_468 = arith.constant 0 : i32
      %dma_start3A_469 = tpu.memref_slice %arg3[%mul3A_2, %dma_start3A_468] : memref<64x16xi32, #tpu.memory_space<hbm>> -> memref<2x16xi32, #tpu.memory_space<hbm>>
      tpu.enqueue_dma source(%arg6 : memref<2x16xi32, #tpu.memory_space<vmem>>) target(%dma_start3A_469 : memref<2x16xi32, #tpu.memory_space<hbm>>) target_semaphore(%run_scoped3A : memref<!tpu.dma_semaphore, #tpu.memory_space<semaphore_mem>>)
      %dma_wait3A_470 = arith.constant 0 : i32
      %dma_wait3A_471 = tpu.memref_slice %arg3[%mul3A_2, %dma_wait3A_470] : memref<64x16xi32, #tpu.memory_space<hbm>> -> memref<2x16xi32, #tpu.memory_space<hbm>>
      %dma_wait3A_472 = arith.constant 0 : i32
      %dma_wait3A_473 = tpu.memref_slice %arg3[%mul3A_2, %dma_wait3A_472] : memref<64x16xi32, #tpu.memory_space<hbm>> -> memref<2x16xi32, #tpu.memory_space<hbm>>
      tpu.wait_dma2 semaphore(%run_scoped3A : memref<!tpu.dma_semaphore, #tpu.memory_space<semaphore_mem>>) src(%arg6 : memref<2x16xi32, #tpu.memory_space<vmem>>) dst(%dma_wait3A_473 : memref<2x16xi32, #tpu.memory_space<hbm>>)
      tpu.yield
    }) : () -> ()
    return
  }
}

module attributes {stable_mosaic.version = 14 : i64} {
  func.func @body(%arg0: i32, %arg1: memref<8x32768xf32, #tpu.memory_space<vmem>>, %arg2: memref<8x16xi32, #tpu.memory_space<vmem>>) attributes {dimension_semantics = [#tpu.dimension_semantics<arbitrary>], iteration_bounds = array<i64: 8>, scalar_prefetch = 0 : i64, scratch_operands = 0 : i64, tpu.core_type = #tpu.core_type<tc>, window_params = [{transform_indices = @transform_0, window_bounds = array<i64: 8, 32768>}, {transform_indices = @transform_1, window_bounds = array<i64: 8, 16>}]} {
    %get3A = arith.constant 0 : index
    %get3A_0 = arith.constant 0 : index
    %get3A_1 = vector.load %arg1[%get3A, %get3A_0] : memref<8x32768xf32, #tpu.memory_space<vmem>>, vector<8x32768xf32>
    %iota3A = tpu.iota {dimensions = array<i32: 1>} : vector<8x32768xi32>
    %reduce_max3A = arith.constant dense<0xFF800000> : vector<8xf32>
    %reduce_max3A_2 = vector.multi_reduction <maximumf>, %get3A_1, %reduce_max3A [1] : vector<8x32768xf32> to vector<8xf32>
    %broadcast_in_dim3A = vector.shape_cast %reduce_max3A_2 : vector<8xf32> to vector<8x1xf32>
    %eq3A = vector.broadcast %broadcast_in_dim3A : vector<8x1xf32> to vector<8x32768xf32>
    %eq3A_3 = arith.cmpf oeq, %get3A_1, %eq3A : vector<8x32768xf32>
    %jit3A = arith.constant 32768 : i32
    %broadcast_in_dim3A_4 = vector.broadcast %jit3A : i32 to vector<8x32768xi32>
    %select_n3A = arith.select %eq3A_3, %iota3A, %broadcast_in_dim3A_4 : vector<8x32768xi1>, vector<8x32768xi32>
    %reduce_min3A = arith.constant dense<2147483647> : vector<8xi32>
    %reduce_min3A_5 = vector.multi_reduction <minsi>, %select_n3A, %reduce_min3A [1] : vector<8x32768xi32> to vector<8xi32>
    %broadcast_in_dim3A_6 = vector.shape_cast %reduce_min3A_5 : vector<8xi32> to vector<8x1xi32>
    %broadcast_in_dim3A_7 = vector.shape_cast %broadcast_in_dim3A_6 : vector<8x1xi32> to vector<8x1xi32>
    %broadcast_in_dim3A_8 = vector.broadcast %broadcast_in_dim3A_7 : vector<8x1xi32> to vector<8x16xi32>
    %swap3A = arith.constant 0 : index
    %swap3A_9 = arith.constant 0 : index
    %swap3A_10 = vector.load %arg2[%swap3A, %swap3A_9] : memref<8x16xi32, #tpu.memory_space<vmem>>, vector<8x16xi32>
    tpu.vector_store %arg2[%swap3A, %swap3A_9], %broadcast_in_dim3A_8 {strides = array<i32>} : memref<8x16xi32, #tpu.memory_space<vmem>>, vector<8x16xi32>,
    return
  }
  func.func @transform_0(%arg0: i32) -> (i32, i32) {
    %add3A = arith.constant 8 : i32
    %add3A_0 = arith.addi %arg0, %add3A : i32
    %c0_i32 = arith.constant 0 : i32
    %c0_i32_1 = arith.constant 0 : i32
    return %add3A_0, %c0_i32 : i32, i32
  }
  func.func @transform_1(%arg0: i32) -> (i32, i32) {
    %c0_i32 = arith.constant 0 : i32
    %c0_i32_0 = arith.constant 0 : i32
    return %arg0, %c0_i32 : i32, i32
  }
}

module attributes {stable_mosaic.version = 14 : i64} {
  func.func @body(%arg0: i32, %arg1: memref<32x16xi32, #tpu.memory_space<vmem>>, %arg2: memref<32x16xi32, #tpu.memory_space<vmem>>, %arg3: memref<32x32768xf32, #tpu.memory_space<vmem>>) attributes {dimension_semantics = [#tpu.dimension_semantics<arbitrary>], iteration_bounds = array<i64: 4>, scalar_prefetch = 0 : i64, scratch_operands = 0 : i64, tpu.core_type = #tpu.core_type<tc>, window_params = [{transform_indices = @transform_0, window_bounds = array<i64: 32, 16>}, {transform_indices = @transform_1, window_bounds = array<i64: 32, 16>}, {transform_indices = @transform_2, window_bounds = array<i64: 32, 32768>}]} {
    %lt3A = arith.constant 2 : i32
    %lt3A_0 = arith.cmpi slt, %arg0, %lt3A : i32
    %get3A = arith.constant 0 : index
    %get3A_1 = arith.constant 0 : index
    %get3A_2 = vector.load %arg1[%get3A, %get3A_1] : memref<32x16xi32, #tpu.memory_space<vmem>>, vector<32x16xi32>
    %get3A_3 = arith.constant 0 : index
    %get3A_4 = arith.constant 0 : index
    %get3A_5 = vector.load %arg2[%get3A_3, %get3A_4] : memref<32x16xi32, #tpu.memory_space<vmem>>, vector<32x16xi32>
    %select_n3A = arith.select %lt3A_0, %get3A_2, %get3A_5 : vector<32x16xi32>
    %slice3A = vector.extract_strided_slice %select_n3A {offsets = [0, 0], sizes = [32, 1], strides = [1, 1]} : vector<32x16xi32> to vector<32x1xi32>
    %iota3A = tpu.iota {dimensions = array<i32: 1>} : vector<32x32768xi32>
    %eq3A = vector.broadcast %slice3A : vector<32x1xi32> to vector<32x32768xi32>
    %eq3A_6 = arith.cmpi eq, %iota3A, %eq3A : vector<32x32768xi32>
    %convert_element_type3A = arith.extui %eq3A_6 : vector<32x32768xi1> to vector<32x32768xi32>
    %convert_element_type3A_7 = arith.sitofp %convert_element_type3A : vector<32x32768xi32> to vector<32x32768xf32>
    %swap3A = arith.constant 0 : index
    %swap3A_8 = arith.constant 0 : index
    %swap3A_9 = vector.load %arg3[%swap3A, %swap3A_8] : memref<32x32768xf32, #tpu.memory_space<vmem>>, vector<32x32768xf32>
    tpu.vector_store %arg3[%swap3A, %swap3A_8], %convert_element_type3A_7 {strides = array<i32>} : memref<32x32768xf32, #tpu.memory_space<vmem>>, vector<32x32768xf32>,
    return
  }
  func.func @transform_0(%arg0: i32) -> (i32, i32) {
    %jit3A = arith.constant 2 : i32
    %eq3A = arith.constant 0 : i32
    %eq3A_0 = arith.cmpi eq, %jit3A, %eq3A : i32
    %jit3A_1 = arith.constant 1 : i32
    %select_n3A = arith.select %eq3A_0, %jit3A_1, %jit3A : i32
    %rem3A = arith.remsi %arg0, %select_n3A : i32
    %ne3A = arith.constant 0 : i32
    %ne3A_2 = arith.cmpi ne, %rem3A, %ne3A : i32
    %lt3A = arith.constant 0 : i32
    %lt3A_3 = arith.cmpi slt, %rem3A, %lt3A : i32
    %lt3A_4 = arith.constant 0 : i32
    %lt3A_5 = arith.cmpi slt, %select_n3A, %lt3A_4 : i32
    %ne3A_6 = arith.xori %lt3A_3, %lt3A_5 : i1
    %and3A = arith.andi %ne3A_6, %ne3A_2 : i1
    %add3A = arith.addi %rem3A, %select_n3A : i32
    %select_n3A_7 = arith.select %and3A, %add3A, %rem3A : i32
    %c0_i32 = arith.constant 0 : i32
    %c0_i32_8 = arith.constant 0 : i32
    return %select_n3A_7, %c0_i32 : i32, i32
  }
  func.func @transform_1(%arg0: i32) -> (i32, i32) {
    %sub3A = arith.constant 2 : i32
    %sub3A_0 = arith.subi %arg0, %sub3A : i32
    %jit3A = arith.constant 2 : i32
    %eq3A = arith.constant 0 : i32
    %eq3A_1 = arith.cmpi eq, %jit3A, %eq3A : i32
    %jit3A_2 = arith.constant 1 : i32
    %select_n3A = arith.select %eq3A_1, %jit3A_2, %jit3A : i32
    %rem3A = arith.remsi %sub3A_0, %select_n3A : i32
    %ne3A = arith.constant 0 : i32
    %ne3A_3 = arith.cmpi ne, %rem3A, %ne3A : i32
    %lt3A = arith.constant 0 : i32
    %lt3A_4 = arith.cmpi slt, %rem3A, %lt3A : i32
    %lt3A_5 = arith.constant 0 : i32
    %lt3A_6 = arith.cmpi slt, %select_n3A, %lt3A_5 : i32
    %ne3A_7 = arith.xori %lt3A_4, %lt3A_6 : i1
    %and3A = arith.andi %ne3A_7, %ne3A_3 : i1
    %add3A = arith.addi %rem3A, %select_n3A : i32
    %select_n3A_8 = arith.select %and3A, %add3A, %rem3A : i32
    %c0_i32 = arith.constant 0 : i32
    %c0_i32_9 = arith.constant 0 : i32
    return %select_n3A_8, %c0_i32 : i32, i32
  }
  func.func @transform_2(%arg0: i32) -> (i32, i32) {
    %c0_i32 = arith.constant 0 : i32
    %c0_i32_0 = arith.constant 0 : i32
    return %arg0, %c0_i32 : i32, i32
  }
}

</mosaic_0001>

<sc_bundles>
// kernel: kernel.5.cloned.1.call-start
scs
__scs_entry_jumppad:
0x0: {  	(pc) =	sbr.rel $0x88, $3  }
0x1: {  	(tag) =	ssettag $0x0;
	lr =	simm.s32 $0x1  }
0x2: {  	[smem:$0x3FA0] =	sst lr;
	_ =	strace $0xD0000000  }
0x3: {  	_ = 	snop  }
0x4: {  	_ = 	snop  }
0x5: {  	_ = 	snop  }
0x6: {  	_ = 	snop  }
0x7: {  	_ = 	snop  }
__scs_overlays_trampoline_lowered:
0x8: {  	[smem:$0x3FAF] =	sst s0  }
0x9: {  	[smem:$0x3FB0] =	sst s1  }
0xa: {  	[smem:$0x3FB1] =	sst s2  }
0xb: {  	[smem:$0x3FB2] =	sst s3  }
0xc: {  	[smem:$0x3FB3] =	sst s4  }
0xd: {  	[smem:$0x3FB4] =	sst s5  }
0xe: {  	[smem:$0x3FB5] =	sst s6  }
0xf: {  	[smem:$0x3FB6] =	sst s7  }
0x10: {  	[smem:$0x3FB7] =	sst s8  }
0x11: {  	[smem:$0x3FB8] =	sst s9;
	s0 =	simm.s32 @!p0 $0x0  }
0x12: {  	s1 =	sld [smem:$0x3F9E];
	s0 =	simm.s32 @p0 $0x1  }
0x13: {  	[smem:$0x3FB9] =	sst s0;
	s0 =	simm.s32 @!p1 $0x0  }
0x14: {  	s2 =	sld [smem:$0x3F9D];
	s0 =	simm.s32 @p1 $0x1  }
0x15: {  	[smem:$0x3FBA] =	sst s0;
	s0 =	simm.s32 @!p2 $0x0  }
0x16: {  	s3 =	sld [smem:$0x3FDB];
	s0 =	simm.s32 @p2 $0x1  }
0x17: {  	s4 =	simm.s32 $0x1BF5;
	[smem:$0x3FBC] =	sst s0  }
0x18: {  	s0 =	sld [smem:$0x3F9F];
	_ =	swait.ge [sflag:s4], $0x0  }
0x19: {  	s7 =	sld [smem:$0x3FA0]  }
0x1a: {  	s8 =	sadd.s32 $0xFFFFE003, lr  }
0x1b: {  	s9 =	sadd.s32 $0xFFFFFEF7, lr;
	s5 =	simm.s32 $0xFFFFFFFF;
	p2 =	slt.u32 s8, $0xFFFFF086  }
0x1c: {  	p1 =	slt.u32 s9, $0xF7A;
	s5 =	simm.s32 @!p2 $0x0  }
0x1d: {  	s5 =	simm.s32 @p1 $0x1;
	p0 =	seq.s32 s7, s2  }
0x1e: {  	s7 =	smul.u32 @!p0 $0xF7A, s2;
	p2 =	seq.s32 @!p0 s5, $0x0  }
0x1f: {  	s9 =	smul.u32 $0xF7A, s1;
	s8 =	simm.s32 @!p0 $0x1BF5;
	p2 =	por !p2, p0  }
0x20: {  	[sflag:s8] =	ssyncset.s32 @!p0 $0xFFFFF086;
	s6 =	sadd.s32 @!p0 s3, s7;
	s7 =	simm.s32 @!p0 $0x108  }
0x21: {  	s3 =	sadd.s32 s3, s9;
	s6 =	sadd.s32 @!p0 $0x88, s6;
	s7 =	simm.s32 @p2 $0x1082  }
0x22: {  	[simem:s7], [sflag:s8] =	dma.local @!p0 [hbm:s6], $0xF7A  }
0x23: {  	s9 =	sor.u32 $0xD0000000, s2;
	s6 =	simm.s32 $0x108;
	_ =	swait.ge @!p0 [sflag:s8], $0x0  }
0x24: {  	s3 =	sadd.s32 $0x88, s3;
	s6 =	simm.s32 @!p1 $0x1082;
	[sflag:s4] =	ssyncset.s32 $0xFFFFF086  }
0x25: {  	[simem:s6], [sflag:s4] =	dma.local [hbm:s3], $0xF7A  }
0x26: {  	[smem:$0x3FA0] =	sst s1;
	(tag) =	ssettag s2;
	_ =	strace s9  }
0x27: {  	s1 =	sld [smem:$0x3FB0]  }
0x28: {  	s2 =	sld [smem:$0x3FB1]  }
0x29: {  	s4 =	sld [smem:$0x3FB3]  }
0x2a: {  	p0 =	seq.s32 s5, $0x0;
	s5 =	sld [smem:$0x3FB4]  }
0x2b: {  	s6 =	sld [smem:$0x3FB5]  }
0x2c: {  	s7 =	sld [smem:$0x3FB6]  }
0x2d: {  	s3 =	simm.s32 $0x108;
	s8 =	sld [smem:$0x3FB7]  }
0x2e: {  	s3 =	simm.s32 @!p0 $0x1082;
	s9 =	sld [smem:$0x3FB8]  }
0x2f: {  	lr =	sadd.s32 s0, s3;
	s0 =	sld [smem:$0x3FAF]  }
0x30: {  	s3 =	sld [smem:$0x3FB2]  }
0x31: {  	[smem:$0x3FBB] =	sst s10  }
0x32: {  	s10 =	sld [smem:$0x3FB9];
	_ =	sdelay $0x3  }
0x33: {  	p0 =	seq.s32 s10, $0x1;
	s10 =	sld [smem:$0x3FBB];
	_ =	sdelay $0x3  }
0x34: {  	[smem:$0x3FBB] =	sst s10  }
0x35: {  	s10 =	sld [smem:$0x3FBA];
	_ =	sdelay $0x3  }
0x36: {  	p1 =	seq.s32 s10, $0x1;
	s10 =	sld [smem:$0x3FBB];
	_ =	sdelay $0x3  }
0x37: {  	[smem:$0x3FBB] =	sst s10  }
0x38: {  	s10 =	sld [smem:$0x3FBC]  }
0x39: {  	_ = 	snop;
	(pc) =	sbr.ind lr, $3  }
0x3a: {  	_ = 	snop  }
0x3b: {  	_ = 	snop  }
0x3c: {  	p2 =	seq.s32 s10, $0x1;
	s10 =	sld [smem:$0x3FBB]  }
0x3d: {  	_ =	shalt  }
0x3e: {  	_ =	shalt  }
0x3f: {  	_ =	shalt  }
0x40: {  	_ =	shalt  }
0x41: {  	_ =	shalt  }
0x42: {  	_ =	shalt  }
0x43: {  	_ =	shalt  }
0x44: {  	_ =	shalt  }
0x45: {  	_ =	shalt  }
0x46: {  	_ =	shalt  }
0x47: {  	_ =	shalt  }
0x48: {  	_ =	shalt  }
0x49: {  	_ =	shalt  }
0x4a: {  	_ =	shalt  }
0x4b: {  	_ =	shalt  }
0x4c: {  	_ =	shalt  }
0x4d: {  	_ =	shalt  }
0x4e: {  	_ =	shalt  }
0x4f: {  	_ =	shalt  }
0x50: {  	_ =	shalt  }
0x51: {  	_ =	shalt  }
0x52: {  	_ =	shalt  }
0x53: {  	_ =	shalt  }
0x54: {  	_ =	shalt  }
0x55: {  	_ =	shalt  }
0x56: {  	_ =	shalt  }
0x57: {  	_ =	shalt  }
0x58: {  	_ =	shalt  }
0x59: {  	_ =	shalt  }
0x5a: {  	_ =	shalt  }
0x5b: {  	_ =	shalt  }
0x5c: {  	_ =	shalt  }
0x5d: {  	_ =	shalt  }
0x5e: {  	_ =	shalt  }
0x5f: {  	_ =	shalt  }
0x60: {  	_ =	shalt  }
0x61: {  	_ =	shalt  }
0x62: {  	_ =	shalt  }
0x63: {  	_ =	shalt  }
0x64: {  	_ =	shalt  }
0x65: {  	_ =	shalt  }
0x66: {  	_ =	shalt  }
0x67: {  	_ =	shalt  }
0x68: {  	_ =	shalt  }
0x69: {  	_ =	shalt  }
0x6a: {  	_ =	shalt  }
0x6b: {  	_ =	shalt  }
0x6c: {  	_ =	shalt  }
0x6d: {  	_ =	shalt  }
0x6e: {  	_ =	shalt  }
0x6f: {  	_ =	shalt  }
0x70: {  	_ =	shalt  }
0x71: {  	_ =	shalt  }
0x72: {  	_ =	shalt  }
0x73: {  	_ =	shalt  }
0x74: {  	_ =	shalt  }
0x75: {  	_ =	shalt  }
0x76: {  	_ =	shalt  }
0x77: {  	_ =	shalt  }
0x78: {  	_ =	shalt  }
0x79: {  	_ =	shalt  }
0x7a: {  	_ =	shalt  }
0x7b: {  	_ =	shalt  }
0x7c: {  	_ =	shalt  }
0x7d: {  	_ =	shalt  }
0x7e: {  	_ =	shalt  }
0x7f: {  	_ =	shalt  }
0x80: {  	_ =	shalt  }
0x81: {  	_ =	shalt  }
0x82: {  	_ =	shalt  }
0x83: {  	_ =	shalt  }
0x84: {  	_ =	shalt  }
0x85: {  	_ =	shalt  }
0x86: {  	_ =	shalt  }
0x87: {  	_ =	shalt  }
.Lfunc_end0:
.L_simem_size_0:
called_computation_lowered:
.L_overlay_start_0:
0x88: {  	s2 =	sld [smem:$0x3FD9]  }
0x89: {  	s3 =	sld [smem:$0x3FFE];
	_ =	sdelay $0x1  }
0x8a: {  	s1 =	srdreg.scid  }
0x8b: {  	s0 =	sand.u32 $0x1, s1  }
0x8c: {  	s18 =	sshll.u32 s0, $0xA;
	s2 =	sadd.s32 s3, s2  }
0x8d: {  	s2 =	sadd.s32 s2, s18  }
0x8e: {  	[smem:$0x3FC7] =	sst s2  }
0x8f: {  	_ = 	snop  }
0x90: {  	s2 =	sld [smem:$0x3FC9]  }
0x91: {  	s19 =	sld [smem:$0x3FD0];
	(tm) =	ssettm $0x1  }
0x92: {  	s4 =	sld [smem:$0x3FFB];
	_ =	sdelay $0x3  }
0x93: {  	_ =	strace s4  }
0x94: {  	s4 =	sld [smem:$0x3FFC];
	_ =	sdelay $0x3  }
0x95: {  	_ =	strace s4  }
0x96: {  	s4 =	sld [smem:$0x3FFD];
	_ =	sdelay $0x3  }
0x97: {  	_ =	strace s4  }
0x98: {  	_ =	strace $0x8FFFFFFF  }
0x99: {  	s20 =	sld [smem:$0x3FDB];
	_ =	sdelay $0x1  }
0x9a: {  	s5 =	simm.s32 $_scs_section_size  }
0x9b: {  	s6 =	simm.s32 $_size__tile_overlayer_lowered;
	s7 =	simm.s32 $_tile_overlayer_lowered  }
0x9c: {  	s23 =	simm.s32 $0x1BFF;
	s22 =	sshll.u32 s7, $0x1;
	s4 =	sadd.s32 s5, s20  }
0x9d: {  	s8 =	simm.s32 $0x0;
	s21 =	sshll.u32 s6, $0x1;
	s6 =	sadd.s32 s22, s4  }
0x9e: {  	[timem:s8], [sflag:s23] =	dma.local [hbm:s6], s21  }
0x9f: {  	_ =	swait.ge [sflag:s23], s21  }
0xa0: {  	s5 =	ssub.s32 $0x0, s21;
	[sflag:s23] =	ssyncset.done $0x0  }
0xa1: {  	[sflag:s23] =	ssyncadd.s32 s5;
	_ =	sdelay $0x1  }
0xa2: {  	s24 =	simm.s32 $0x1B8B  }
0xa3: {  	_ =	swait.ge [sflag:s24], $0x1  }
0xa4: {  	[sflag:s24] =	ssyncset.done $0x0  }
0xa5: {  	s25 =	simm.s32 $0x1B8E;
	[sflag:s24] =	ssyncadd.s32 $0xFFFFFFFF  }
0xa6: {  	s26 =	simm.s32 $execute0_lowered;
	[smem:$0x3FD2] =	sst s25  }
0xa7: {  	s5 =	sshll.u32 s26, $0x1;
	_ =	strace $0x80000046;
	[dreg:$0x1] =	wrdreg $0xFFFFFFFF  }
0xa8: {  	s28 =	simm.s32 $_size_execute0_lowered;
	s4 =	sadd.s32 s4, s5;
	[dreg:$0x0] =	wrdreg $0x0  }
0xa9: {  	s5 =	sshll.u32 s28, $0x1;
	[dreg:$0x2] =	wrdreg s4  }
0xaa: {  	[dreg:$0x3] =	wrdreg s5  }
0xab: {  	[dreg:$0x4] =	wrdreg $0xC0  }
0xac: {  	_ =	task [dreg:s8], $0x5FFFF  }
0xad: {  	[dreg:$0x1] =	wrdreg $0xFFFFFFFF  }
0xae: {  	[dreg:$0x0] =	wrdreg $0x60  }
0xaf: {  	[dreg:$0x2] =	wrdreg s2  }
0xb0: {  	[dreg:$0x3] =	wrdreg s19  }
0xb1: {  	[dreg:$0x4] =	wrdreg $0x9  }
0xb2: {  	_ =	task.clear_ibuf [dreg:s8], $0x5FFFF;
	_ =	strace $0x90000046  }
0xb3: {  	s29 =	simm.s32 $0x9;
	_ =	strace $0x80000048  }
0xb4: {  	_ =	swait.ge [sflag:s29], $0x1  }
0xb5: {  	[sflag:s29] =	ssyncadd.s32 $0xFFFFFFFF  }
0xb6: {  	_ =	strace $0x90000048  }
0xb7: {  	_ =	sfence  }
0xb8: {  	s30 =	sld [smem:$0x0];
	_ =	sdelay $0x2  }
0xb9: {  	s31 =	sshll.u32 s1, $0xD;
	s1 =	sshrl.u32 s1, $0x2  }
0xba: {  	s3 =	sand.u32 $0x4000, s31;
	s1 =	sadd.s32 s1, s30  }
0xbb: {  	s0 =	sor.u32 s3, s0;
	s1 =	sshll.u32 s1, $0x11  }
0xbc: {  	s0 =	sor.u32 s1, s0  }
0xbd: {  	s0 =	sadd.s32 $0x8F2B, s0  }
0xbe: {  	[sflag:s0] =	ssyncadd.remote.s32 $0x1  }
0xbf: {  	_ =	sfence.sel $0xFFFF  }
0xc0: {  	[dreg:$0x0] =	wrdreg $0xFFFFFFFF;
	(pc) =	sbr.abs _section_cstart, $3  }
0xc1: {  	[dreg:$0x1] =	wrdreg $0xFFFFFFFF  }
0xc2: {  	_ =	task.clear_ibuf [dreg:s8], $0x2FFFF;
	_ =	strace $0x9FFFFFFF  }
0xc3: {  	(tm) =	ssettm $0x7FFFFFFF  }
tec
execute0_lowered:
.L_overlay_start_1:
0x0: {  	(tag) =	ssettag $0x1  }
0x1: {  	s4 =	rddreg [dreg:$0x0]  }
0x2: {  	s0 =	srdreg.scid;
	s6 =	rddreg [dreg:$0x1]  }
0x3: {  	s1 =	stileid.u32;
	s2 =	simm.s32 $0x0;
	s8 =	simm.s32 $0x1  }
0x4: {  	s12 =	simm.s32 $0x10000;
	s13 =	simm.s32 $0x3;
	s14 =	simm.s32 $0x0  }
0x5: {  	v2 =	vimm.s32 $0xFEDCBA98;
	v6 =	vimm.s32 $0x76543210;
	v8 =	vimm.s32 $0x32107654;
	s3 =	sand.u32 $0x1, s0;
	s0 =	rddreg [dreg:$0x2];
	s7 =	sshll.u32 s1, $0x1  }
0x6: {  	v9 =	vimm.s32 $0xDCFE98BA;
	v10 =	vimm.s32 $0x54761032;
	[smem:$0x7FF] =	sst s2;
	s11 =	sshll.u32 s1, $0x8;
	s5 =	sshll.u32 s3, $0x5  }
0x7: {  	v0 =	vlaneseq.u32;
	v11 =	vimm.s32 $0xEFCDAB89;
	_ =	strace $0x80000047;
	s3 =	ssub.s32 $0x2, s3;
	s30 =	sand.u32 $0x300, s11  }
0x8: {  	v12 =	vimm.s32 $0x67452301;
	v1 =	vor.u32 $0x10, v0;
	v5 =	vunpack.c.l.s4.s8 v2;
	s5 =	sor.u32 s7, s5;
	s7 =	sand.u32 $0x6, s7;
	s9 =	sshrl.u32 s3, $0x1  }
0x9: {  	v2 =	vor.u32 $0x20, v0;
	v3 =	vor.u32 $0x30, v0;
	v4 =	vor.u32 $0x40, v0;
	p0 =	seq.s32 s5, $0x0;
	p1 =	sne.s32 s7, $0x0;
	s10 =	sshrl.u32 s5, $0x3  }
0xa: {  	v9 =	vunpack.c.l.s4.s8 v9;
	v10 =	vunpack.c.l.s4.s8 v10;
	v11 =	vunpack.c.l.s4.s8 v11;
	s9 =	ssub.s32 s3, s9;
	s28 =	sshll.u32 s5, $0xF;
	p0 =	por !p0, !p1  }
0xb: {  	v12 =	vunpack.c.l.s4.s8 v12;
	v7 =	vunpack.c.0.s8.s32 v5;
	v5 =	vimm.s32 $0xBA98FEDC;
	s3 =	simm.s32 $0x1;
	s5 =	sshll.u32 s5, $0x7;
	p0 =	por !p0, !p0  }
0xc: {  	v8 =	vunpack.c.l.s4.s8 v8;
	v9 =	vunpack.c.0.s8.s32 v9;
	v5 =	vunpack.c.l.s4.s8 v5;
	s7 =	sshll.u32 s7, $0x7;
	s5 =	sand.u32 $0x1C00, s5;
	s8 =	simm.s32 @!p0 $0x0  }
0xd: {  	v10 =	vunpack.c.0.s8.s32 v10;
	v11 =	vunpack.c.0.s8.s32 v11;
	v12 =	vunpack.c.0.s8.s32 v12;
	s26 =	ssub.s32 s10, s8;
	s10 =	sor.u32 s28, s11;
	s11 =	simm.s32 $0x2  }
0xe: {  	v6 =	vunpack.c.l.s4.s8 v6;
	v8 =	vunpack.c.0.s8.s32 v8;
	v5 =	vunpack.c.0.s8.s32 v5;
	s8 =	sshll.u32 s26, $0x12;
	s29 =	sand.u32 $0x1C0300, s10;
	s10 =	sor.u32 s30, s5  }
0xf: {  	v14 =	vand.u32 $0xF, v7;
	v10 =	vcombine.low v10, v9;
	v11 =	vcombine.low v12, v11;
	s7 =	sor.u32 s7, s8;
	s8 =	sshrl.u32 s29, $0x3;
	s31 =	sshrl.u32 s10, $0x3  }
0x10: {  	v7 =	vor.u32 $0x70, v0;
	v13 =	vcombine.low v8, v5;
	v8 =	vunpack.c.0.s8.s32 v6;
	s10 =	simm.s32 $0x8000;
	s7 =	sshrl.u32 s7, $0x3;
	s8 =	sadd.s32 s8, s4  }
0x11: {  	v10 =	vand.u32 $0xF, v10;
	v11 =	vand.u32 $0xF, v11;
	v5 =	vor.u32 $0x50, v0;
	s6 =	sadd.s32 s6, s31;
	s4 =	sadd.s32 s4, s7;
	s5 =	sadd.s32 $0x10, s8  }
0x12: {  	v6 =	vor.u32 $0x60, v0;
	v8 =	vcombine.low v14, v8;
	v9 =	vand.u32 $0xF, v13;
	s7 =	smax.u32 s9, $0x1;
	s8 =	simm.s32 $0x80;
	s9 =	simm.s32 $0x400  }
.LBB2_1:
0x13: {  	[tilespmem:s2], [sflag:$0x1] =	stream.strided.gather [hbm4b:s4+s8], $0x8000, s9, s8, $0x38;
	[tilespmem:$0x10100] =	vst v63  }
0x14: {  	_ = 	snop  }
0x15: {  	[tilespmem:s10], [sflag:$0x2] =	stream.strided.gather [hbm4b:s5+s8], $0x8000, s9, s8, $0x38;
	[tilespmem:$0x10100] =	vst v63  }
0x16: {  	_ =	swait.ge [sflag:s3], $0x8000  }
0x17: {  	[sflag:s3] =	ssyncset.done $0x0  }
0x18: {  	s15 =	simm.s32 $0x40;
	[sflag:s3] =	ssyncadd.s32 $0xFFFF8000  }
0x19: {  	v14 =	vld [tilespmem:s15+$0xFFFFFFC0]  }
0x1a: {  	v15 =	vld [tilespmem:s15+$0xFFFFFFD0]  }
0x1b: {  	v18 =	vld [tilespmem:s15+$0xFFFFFFE0]  }
0x1c: {  	v19 =	vld [tilespmem:s15+$0xFFFFFFF0]  }
0x1d: {  	v20 =	vld [tilespmem:s15+$0x0]  }
0x1e: {  	v22 =	vld [tilespmem:s15+$0x10]  }
0x1f: {  	v23 =	vld [tilespmem:s15+$0x20];
	_ =	sdelay $0x1  }
0x20: {  	v24 =	vimm.f32 $-Inf;
	s16 =	simm.s32 $0xC0;
	v26 =	vld [tilespmem:s15+$0x30]  }
0x21: {  	v12 =	vimm.s32 $0x0;
	v34 =	vld [tilespmem:s16+$0xFFFFFFC0];
	vm0 =	vgt.f32 v14, v24;
	vm1 =	vgt.f32 v15, v24  }
0x22: {  	v13 =	vld [tilespmem:s16+$0xFFFFFFD0];
	vm2 =	vgt.f32 v18, v24;
	vm3 =	vgt.f32 v19, v24;
	vm4 =	vgt.f32 v20, v24  }
0x23: {  	v35 =	vld [tilespmem:s16+$0xFFFFFFE0];
	vm5 =	vgt.f32 v22, v24;
	vm6 =	vgt.f32 v23, v24;
	v14 =	vsel vm0, v14, v24  }
0x24: {  	v17 =	vld [tilespmem:s16+$0xFFFFFFF0];
	v16 =	vsel vm0, s2, v12;
	v15 =	vsel vm1, v15, v24;
	v18 =	vsel vm2, v18, v24  }
0x25: {  	v25 =	vld [tilespmem:s16+$0x0];
	v19 =	vsel vm3, v19, v24;
	v20 =	vsel vm4, v20, v24;
	vm0 =	vgt.f32 v26, v24  }
0x26: {  	v21 =	vld [tilespmem:s16+$0x10];
	v22 =	vsel vm5, v22, v24;
	v23 =	vsel vm6, v23, v24;
	v27 =	vsel vm2, s2, v12  }
0x27: {  	s17 =	simm.s32 $0x2;
	v32 =	vld [tilespmem:s16+$0x20];
	v28 =	vsel vm3, s2, v12;
	v30 =	vsel vm4, s2, v12;
	v31 =	vsel vm5, s2, v12  }
0x28: {  	s18 =	simm.s32 $0x0;
	s15 =	simm.s32 $0x1;
	v33 =	vld [tilespmem:s16+$0x30];
	s16 =	simm.s32 $0x140;
	v29 =	vsel vm6, s2, v12;
	v24 =	vsel vm0, v26, v24;
	v26 =	vsel vm1, s2, v12  }
.LBB2_2:
0x29: {  	v36 =	vld [tilespmem:s16+$0xFFFFFFC0];
	p0 =	sne.s32 s17, $0xFF;
	vm1 =	vgt.f32 v34, v14;
	vm2 =	vgt.f32 v13, v15;
	v12 =	vsel vm0, s18, v12;
	s18 =	smov.u32 s15;
	s15 =	smov.u32 s17  }
0x2a: {  	v14 =	vsel vm1, v34, v14;
	v16 =	vsel vm1, s18, v16;
	v15 =	vsel vm2, v13, v15;
	v13 =	vld [tilespmem:s16+$0xFFFFFFD0]  }
0x2b: {  	vm3 =	vgt.f32 v17, v19;
	vm1 =	vgt.f32 v35, v18;
	vm4 =	vgt.f32 v25, v20;
	v37 =	vld [tilespmem:s16+$0xFFFFFFE0]  }
.Ltmp0:
0x2c: {  	v19 =	vsel vm3, v17, v19;
	v18 =	vsel vm1, v35, v18;
	v20 =	vsel vm4, v25, v20;
	v17 =	vld [tilespmem:s16+$0xFFFFFFF0];
	(pc) =	sbr.rel @p0 .LBB2_2-.Ltmp0, $4  }
0x2d: {  	vm5 =	vgt.f32 v21, v22;
	vm6 =	vgt.f32 v32, v23;
	v25 =	vld [tilespmem:s16+$0x0];
	vm0 =	vgt.f32 v33, v24  }
0x2e: {  	v22 =	vsel vm5, v21, v22;
	v23 =	vsel vm6, v32, v23;
	v21 =	vld [tilespmem:s16+$0x10];
	v24 =	vsel vm0, v33, v24;
	v34 =	vmovc v36  }
0x2f: {  	v26 =	vsel vm2, s18, v26;
	v28 =	vsel vm3, s18, v28;
	v27 =	vsel vm1, s18, v27;
	v32 =	vld [tilespmem:s16+$0x20]  }
0x30: {  	s17 =	sadd.s32 $0x1, s17;
	v30 =	vsel vm4, s18, v30;
	v31 =	vsel vm5, s18, v31;
	v29 =	vsel vm6, s18, v29;
	v33 =	vld [tilespmem:s16+$0x30];
	s16 =	sadd.s32 $0x80, s16;
	v35 =	vmovc v37  }
0x31: {  	vm1 =	vgt.f32 v34, v14;
	vm2 =	vgt.f32 v13, v15;
	v12 =	vsel vm0, s18, v12  }
0x32: {  	vm0 =	vgt.f32 v35, v18;
	v14 =	vsel vm1, v34, v14;
	v16 =	vsel vm1, s15, v16  }
0x33: {  	v13 =	vsel vm2, v13, v15;
	vm1 =	vgt.f32 v17, v19;
	vm3 =	vgt.f32 v25, v20  }
0x34: {  	v15 =	vsel vm0, v35, v18;
	v17 =	vsel vm1, v17, v19;
	v18 =	vsel vm3, v25, v20  }
0x35: {  	vm4 =	vgt.f32 v21, v22;
	v25 =	vsel vm3, s15, v30;
	v16 =	vshll.u32 v16, $0x7  }
0x36: {  	vm5 =	vgt.f32 v32, v23;
	v19 =	vsel vm4, v21, v22;
	v22 =	vsel vm2, s15, v26  }
0x37: {  	v26 =	vsel vm4, s15, v31;
	v16 =	vor.u32 v0, v16;
	v25 =	vshll.u32 v25, $0x7  }
0x38: {  	vm3 =	veq.f32 v17, v15;
	vm6 =	vgt.f32 v33, v24;
	v20 =	vsel vm5, v32, v23  }
0x39: {  	v23 =	vsel vm0, s15, v27;
	v27 =	vsel vm5, s15, v29;
	v22 =	vshll.u32 v22, $0x7  }
0x3a: {  	v26 =	vshll.u32 v26, $0x7;
	v25 =	vor.u32 v4, v25;
	vm0 =	vgt.f32 v13, v14  }
0x3b: {  	v21 =	vsel vm6, v33, v24;
	v24 =	vsel vm1, s15, v28;
	v12 =	vsel vm6, s15, v12  }
0x3c: {  	v23 =	vshll.u32 v23, $0x7;
	v22 =	vor.u32 v1, v22;
	v27 =	vshll.u32 v27, $0x7  }
0x3d: {  	v26 =	vor.u32 v5, v26;
	vm1 =	veq.f32 v13, v14;
	v24 =	vshll.u32 v24, $0x7  }
0x3e: {  	v23 =	vor.u32 v2, v23;
	v27 =	vor.u32 v6, v27;
	vm2 =	vlt.s32 v22, v16  }
0x3f: {  	v12 =	vshll.u32 v12, $0x7;
	v24 =	vor.u32 v3, v24;
	vm1 =	vmand vm1, vm2  }
0x40: {  	vm2 =	vgt.f32 v17, v15;
	v12 =	vor.u32 v7, v12;
	vm11 =	vlt.s32 v24, v23  }
0x41: {  	vm0 =	vmor vm0, vm1;
	vm12 =	vlt.s32 v12, v27;
	vm3 =	vmand vm3, vm11  }
0x42: {  	v13 =	vsel vm0, v13, v14;
	v14 =	vsel vm0, v22, v16;
	vm0 =	vgt.f32 v19, v18  }
0x43: {  	vm1 =	vmor vm2, vm3;
	vm2 =	veq.f32 v19, v18;
	vm3 =	vlt.s32 v26, v25  }
0x44: {  	v15 =	vsel vm1, v17, v15;
	vm2 =	vmand vm2, vm3;
	vm3 =	veq.f32 v21, v20  }
0x45: {  	vm0 =	vmor vm0, vm2;
	vm2 =	vgt.f32 v21, v20;
	vm3 =	vmand vm3, vm12  }
0x46: {  	v16 =	vsel vm1, v24, v23;
	v17 =	vsel vm0, v19, v18;
	vm1 =	vmor vm2, vm3  }
0x47: {  	v18 =	vsel vm0, v26, v25;
	vm0 =	vgt.f32 v15, v13;
	vm2 =	vlt.s32 v16, v14  }
0x48: {  	v19 =	vsel vm1, v21, v20;
	v12 =	vsel vm1, v12, v27;
	vm1 =	veq.f32 v15, v13  }
0x49: {  	vm1 =	vmand vm1, vm2;
	vm2 =	veq.f32 v19, v17;
	vm3 =	vlt.s32 v12, v18  }
0x4a: {  	vm0 =	vmor vm0, vm1;
	vm1 =	vgt.f32 v19, v17;
	vm2 =	vmand vm2, vm3  }
0x4b: {  	v13 =	vsel vm0, v15, v13;
	vm1 =	vmor vm1, vm2  }
0x4c: {  	v14 =	vsel vm0, v16, v14;
	v15 =	vsel vm1, v19, v17;
	v12 =	vsel vm1, v12, v18  }
0x4d: {  	vm0 =	veq.f32 v15, v13;
	vm1 =	vlt.s32 v12, v14  }
0x4e: {  	vm2 =	vgt.f32 v15, v13;
	vm0 =	vmand vm0, vm1  }
0x4f: {  	vm0 =	vmor vm2, vm0  }
0x50: {  	v13 =	vsel vm0, v15, v13;
	v12 =	vsel vm0, v12, v14  }
0x51: {  	v14 =	vperm.xlane v13, v8;
	v15 =	vperm.xlane v12, v8;
	_ =	sdelay $0x1  }
0x52: {  	vm0 =	veq.f32 v14, v13;
	vm1 =	vlt.s32 v15, v12  }
0x53: {  	vm2 =	vgt.f32 v14, v13;
	vm0 =	vmand vm0, vm1  }
0x54: {  	vm0 =	vmor vm2, vm0  }
0x55: {  	v13 =	vsel vm0, v14, v13;
	v12 =	vsel vm0, v15, v12  }
0x56: {  	v14 =	vperm.xlane v13, v9;
	v15 =	vperm.xlane v12, v9;
	_ =	sdelay $0x1  }
0x57: {  	vm0 =	veq.f32 v14, v13;
	vm1 =	vlt.s32 v15, v12  }
0x58: {  	vm2 =	vgt.f32 v14, v13;
	vm0 =	vmand vm0, vm1  }
0x59: {  	vm0 =	vmor vm2, vm0  }
0x5a: {  	v13 =	vsel vm0, v14, v13;
	v12 =	vsel vm0, v15, v12  }
0x5b: {  	v14 =	vperm.xlane v13, v10;
	v15 =	vperm.xlane v12, v10;
	_ =	sdelay $0x1  }
0x5c: {  	vm0 =	veq.f32 v14, v13;
	vm1 =	vlt.s32 v15, v12  }
0x5d: {  	vm2 =	vgt.f32 v14, v13;
	vm0 =	vmand vm0, vm1  }
0x5e: {  	vm0 =	vmor vm2, vm0  }
0x5f: {  	v13 =	vsel vm0, v14, v13;
	v12 =	vsel vm0, v15, v12  }
0x60: {  	v14 =	vperm.xlane v13, v11;
	v15 =	vperm.xlane v12, v11;
	_ =	sdelay $0x1  }
0x61: {  	vm0 =	veq.f32 v14, v13;
	vm1 =	vlt.s32 v15, v12  }
0x62: {  	vm2 =	vgt.f32 v14, v13;
	vm0 =	vmand vm0, vm1  }
0x63: {  	vm0 =	vmor vm2, vm0  }
0x64: {  	v12 =	vsel vm0, v15, v12  }
0x65: {  	[tilespmem:$0x10000] =	vst v12  }
0x66: {  	_ =	swait.ge [sflag:s11], $0x8000  }
0x67: {  	[sflag:s11] =	ssyncset.done $0x0  }
0x68: {  	s31 =	simm.s32 $0x8040;
	[sflag:s11] =	ssyncadd.s32 $0xFFFF8000  }
0x69: {  	v14 =	vld [tilespmem:s31+$0xFFFFFFC0]  }
0x6a: {  	v15 =	vld [tilespmem:s31+$0xFFFFFFD0]  }
0x6b: {  	v18 =	vld [tilespmem:s31+$0xFFFFFFE0]  }
0x6c: {  	v19 =	vld [tilespmem:s31+$0xFFFFFFF0]  }
0x6d: {  	v20 =	vld [tilespmem:s31+$0x0]  }
0x6e: {  	v22 =	vld [tilespmem:s31+$0x10]  }
0x6f: {  	v23 =	vld [tilespmem:s31+$0x20];
	_ =	sdelay $0x1  }
0x70: {  	s17 =	simm.s32 $0x80C0;
	v24 =	vimm.f32 $-Inf;
	v26 =	vld [tilespmem:s31+$0x30]  }
0x71: {  	v12 =	vimm.s32 $0x0;
	v34 =	vld [tilespmem:s17+$0xFFFFFFC0];
	vm0 =	vgt.f32 v14, v24;
	vm1 =	vgt.f32 v15, v24  }
0x72: {  	v13 =	vld [tilespmem:s17+$0xFFFFFFD0];
	vm2 =	vgt.f32 v18, v24;
	vm3 =	vgt.f32 v19, v24;
	vm13 =	vgt.f32 v20, v24  }
0x73: {  	s15 =	simm.s32 $0x0;
	v35 =	vld [tilespmem:s17+$0xFFFFFFE0];
	vm14 =	vgt.f32 v22, v24;
	vm15 =	vgt.f32 v23, v24;
	v14 =	vsel vm0, v14, v24  }
0x74: {  	v17 =	vld [tilespmem:s17+$0xFFFFFFF0];
	v16 =	vsel vm0, s15, v12;
	v15 =	vsel vm1, v15, v24;
	v18 =	vsel vm2, v18, v24  }
0x75: {  	v25 =	vld [tilespmem:s17+$0x0];
	v19 =	vsel vm3, v19, v24;
	v20 =	vsel vm13, v20, v24;
	vm0 =	vgt.f32 v26, v24  }
0x76: {  	v21 =	vld [tilespmem:s17+$0x10];
	v22 =	vsel vm14, v22, v24;
	v23 =	vsel vm15, v23, v24;
	v27 =	vsel vm2, s15, v12  }
0x77: {  	v32 =	vld [tilespmem:s17+$0x20];
	v28 =	vsel vm3, s15, v12;
	v30 =	vsel vm13, s15, v12;
	v31 =	vsel vm14, s15, v12  }
0x78: {  	s16 =	simm.s32 $0x1;
	s18 =	simm.s32 $0x2;
	v33 =	vld [tilespmem:s17+$0x30];
	s17 =	simm.s32 $0x8140;
	v29 =	vsel vm15, s15, v12;
	v24 =	vsel vm0, v26, v24;
	v26 =	vsel vm1, s15, v12  }
.LBB2_4:
0x79: {  	v36 =	vld [tilespmem:s17+$0xFFFFFFC0];
	p0 =	sne.s32 s18, $0xFF;
	vm1 =	vgt.f32 v34, v14;
	vm2 =	vgt.f32 v13, v15;
	v12 =	vsel vm0, s15, v12;
	s15 =	smov.u32 s16;
	s16 =	smov.u32 s18  }
0x7a: {  	v14 =	vsel vm1, v34, v14;
	v16 =	vsel vm1, s15, v16;
	v15 =	vsel vm2, v13, v15;
	v13 =	vld [tilespmem:s17+$0xFFFFFFD0]  }
0x7b: {  	vm3 =	vgt.f32 v17, v19;
	vm1 =	vgt.f32 v35, v18;
	vm4 =	vgt.f32 v25, v20;
	v37 =	vld [tilespmem:s17+$0xFFFFFFE0]  }
.Ltmp1:
0x7c: {  	v19 =	vsel vm3, v17, v19;
	v18 =	vsel vm1, v35, v18;
	v20 =	vsel vm4, v25, v20;
	v17 =	vld [tilespmem:s17+$0xFFFFFFF0];
	(pc) =	sbr.rel @p0 .LBB2_4-.Ltmp1, $4  }
0x7d: {  	vm5 =	vgt.f32 v21, v22;
	vm6 =	vgt.f32 v32, v23;
	v25 =	vld [tilespmem:s17+$0x0];
	vm0 =	vgt.f32 v33, v24  }
0x7e: {  	v22 =	vsel vm5, v21, v22;
	v23 =	vsel vm6, v32, v23;
	v21 =	vld [tilespmem:s17+$0x10];
	v24 =	vsel vm0, v33, v24;
	v34 =	vmovc v36  }
0x7f: {  	v26 =	vsel vm2, s15, v26;
	v28 =	vsel vm3, s15, v28;
	v27 =	vsel vm1, s15, v27;
	v32 =	vld [tilespmem:s17+$0x20]  }
0x80: {  	s18 =	sadd.s32 $0x1, s18;
	v30 =	vsel vm4, s15, v30;
	v31 =	vsel vm5, s15, v31;
	v29 =	vsel vm6, s15, v29;
	v33 =	vld [tilespmem:s17+$0x30];
	s17 =	sadd.s32 $0x80, s17;
	v35 =	vmovc v37  }
0x81: {  	vm1 =	vgt.f32 v34, v14;
	vm2 =	vgt.f32 v13, v15;
	v12 =	vsel vm0, s15, v12  }
0x82: {  	vm10 =	vgt.f32 v35, v18;
	vm11 =	vgt.f32 v17, v19;
	v14 =	vsel vm1, v34, v14  }
0x83: {  	v16 =	vsel vm1, s16, v16;
	v13 =	vsel vm2, v13, v15;
	vm3 =	vgt.f32 v25, v20  }
0x84: {  	v45 =	vsel vm10, v35, v18;
	v17 =	vsel vm11, v17, v19;
	v50 =	vsel vm2, s16, v26  }
0x85: {  	v51 =	vsel vm10, s16, v27;
	v52 =	vsel vm11, s16, v28;
	v46 =	vsel vm3, v25, v20  }
0x86: {  	vm4 =	vgt.f32 v21, v22;
	v53 =	vsel vm3, s16, v30;
	v16 =	vshll.u32 v16, $0x7  }
0x87: {  	vm12 =	vgt.f32 v13, v14;
	vm13 =	veq.f32 v13, v14;
	vm15 =	veq.f32 v17, v45  }
0x88: {  	vm9 =	vgt.f32 v17, v45;
	vm5 =	vgt.f32 v32, v23;
	v47 =	vsel vm4, v21, v22  }
0x89: {  	v54 =	vsel vm4, s16, v31;
	v16 =	vor.u32 v0, v16;
	v22 =	vshll.u32 v50, $0x7  }
0x8a: {  	v25 =	vshll.u32 v53, $0x7;
	vm6 =	vgt.f32 v33, v24;
	v48 =	vsel vm5, v32, v23  }
0x8b: {  	v55 =	vsel vm5, s16, v29;
	v23 =	vshll.u32 v51, $0x7;
	v22 =	vor.u32 v1, v22  }
0x8c: {  	v26 =	vshll.u32 v54, $0x7;
	v25 =	vor.u32 v4, v25;
	vm11 =	vgt.f32 v47, v46  }
0x8d: {  	v49 =	vsel vm6, v33, v24;
	v12 =	vsel vm6, s16, v12;
	v24 =	vshll.u32 v52, $0x7  }
0x8e: {  	v23 =	vor.u32 v2, v23;
	v27 =	vshll.u32 v55, $0x7;
	v26 =	vor.u32 v5, v26  }
0x8f: {  	vm14 =	vlt.s32 v22, v16;
	v24 =	vor.u32 v3, v24;
	v27 =	vor.u32 v6, v27  }
0x90: {  	v12 =	vshll.u32 v12, $0x7;
	vm1 =	vmand vm13, vm14;
	vm13 =	vlt.s32 v26, v25  }
0x91: {  	vm14 =	veq.f32 v49, v48;
	vm6 =	vgt.f32 v49, v48;
	vm8 =	vlt.s32 v24, v23  }
0x92: {  	v12 =	vor.u32 v7, v12;
	vm0 =	vmor vm12, vm1;
	vm12 =	veq.f32 v47, v46  }
0x93: {  	vm3 =	vmand vm15, vm8;
	v13 =	vsel vm0, v13, v14;
	v56 =	vsel vm0, v22, v16  }
0x94: {  	vm2 =	vmand vm12, vm13;
	vm15 =	vlt.s32 v12, v27;
	vm10 =	vmor vm9, vm3  }
0x95: {  	vm0 =	vmor vm11, vm2;
	vm3 =	vmand vm14, vm15;
	v15 =	vsel vm10, v17, v45  }
0x96: {  	v57 =	vsel vm10, v24, v23;
	v58 =	vsel vm0, v47, v46;
	vm7 =	vmor vm6, vm3  }
0x97: {  	v59 =	vsel vm0, v26, v25;
	v60 =	vsel vm7, v49, v48;
	v12 =	vsel vm7, v12, v27  }
0x98: {  	vm8 =	vgt.f32 v15, v13;
	vm9 =	veq.f32 v15, v13;
	vm10 =	vlt.s32 v57, v56  }
0x99: {  	vm1 =	vmand vm9, vm10;
	vm11 =	veq.f32 v60, v58;
	vm12 =	vlt.s32 v12, v59  }
0x9a: {  	vm13 =	vgt.f32 v60, v58;
	vm0 =	vmor vm8, vm1;
	vm2 =	vmand vm11, vm12  }
0x9b: {  	v13 =	vsel vm0, v15, v13;
	vm1 =	vmor vm13, vm2  }
0x9c: {  	v14 =	vsel vm0, v57, v56;
	v61 =	vsel vm1, v60, v58;
	v12 =	vsel vm1, v12, v59  }
0x9d: {  	vm14 =	veq.f32 v61, v13;
	vm1 =	vlt.s32 v12, v14  }
0x9e: {  	vm15 =	vgt.f32 v61, v13;
	vm0 =	vmand vm14, vm1  }
0x9f: {  	vm0 =	vmor vm15, vm0  }
0xa0: {  	v13 =	vsel vm0, v61, v13;
	v12 =	vsel vm0, v12, v14  }
0xa1: {  	v62 =	vperm.xlane v13, v8;
	v63 =	vperm.xlane v12, v8;
	_ =	sdelay $0x1  }
0xa2: {  	vm4 =	veq.f32 v62, v13;
	vm5 =	vlt.s32 v63, v12  }
0xa3: {  	vm6 =	vgt.f32 v62, v13;
	vm0 =	vmand vm4, vm5  }
0xa4: {  	vm0 =	vmor vm6, vm0  }
0xa5: {  	v13 =	vsel vm0, v62, v13;
	v12 =	vsel vm0, v63, v12  }
0xa6: {  	v14 =	vperm.xlane v13, v9;
	v15 =	vperm.xlane v12, v9;
	_ =	sdelay $0x1  }
0xa7: {  	vm7 =	veq.f32 v14, v13;
	vm8 =	vlt.s32 v15, v12  }
0xa8: {  	vm9 =	vgt.f32 v14, v13;
	vm0 =	vmand vm7, vm8  }
0xa9: {  	vm0 =	vmor vm9, vm0  }
0xaa: {  	v13 =	vsel vm0, v14, v13;
	v12 =	vsel vm0, v15, v12  }
0xab: {  	v14 =	vperm.xlane v13, v10;
	v15 =	vperm.xlane v12, v10;
	_ =	sdelay $0x1  }
0xac: {  	vm10 =	veq.f32 v14, v13;
	vm11 =	vlt.s32 v15, v12  }
0xad: {  	vm12 =	vgt.f32 v14, v13;
	vm0 =	vmand vm10, vm11  }
0xae: {  	vm0 =	vmor vm12, vm0  }
0xaf: {  	v13 =	vsel vm0, v14, v13;
	v12 =	vsel vm0, v15, v12  }
0xb0: {  	v14 =	vperm.xlane v13, v11;
	v15 =	vperm.xlane v12, v11;
	_ =	sdelay $0x1  }
0xb1: {  	vm13 =	veq.f32 v14, v13;
	vm14 =	vlt.s32 v15, v12  }
0xb2: {  	vm15 =	vgt.f32 v14, v13;
	vm0 =	vmand vm13, vm14  }
0xb3: {  	s14 =	sadd.s32 $0x1, s14;
	vm0 =	vmor vm15, vm0  }
0xb4: {  	p0 =	sne.s32 s14, s7;
	v12 =	vsel vm0, v15, v12  }
.Ltmp2:
0xb5: {  	[tilespmem:$0x10080] =	vst v12;
	(pc) =	sbr.rel @p0 .LBB2_1-.Ltmp2, $4  }
0xb6: {  	[hbm4b:s6+s2] =	stream.linear.scatter [tilespmem:s12], [sflag:$0x3], $0x100, $0x38;
	[tilespmem:$0x10100] =	vst v63  }
0xb7: {  	_ =	swait.ge [sflag:s13], $0x100  }
0xb8: {  	[sflag:s13] =	ssyncset.done $0x0  }
0xb9: {  	[sflag:s13] =	ssyncadd.s32 $0xFFFFFF00  }
0xba: {  	_ =	sfence.sel $0x180000  }
0xbb: {  	[bflag:$0x0] =	sbarrier.arrive $0xFFFF  }
0xbc: {  	p0 =	sne.s32 s1, $0x0;
	_ =	strace $0x90000047  }
0xbd: {  	s0 =	sadd.s32 @!p0 $0x100000, s0;
	[bflag:$0x2] =	sbarrier.arrive $0xFFFF  }
0xbe: {  	[sflag:s0] =	ssyncadd.tile.s32 @!p0 $0x1;
	_ =	shalt  }
.Lfunc_end2:
_tile_overlayer_lowered:
.L_overlay_start_2:
0xbf: {  	(tag) =	ssettag $0x2  }
0xc0: {  	s0 =	rddreg [dreg:$0x0];
	s2 =	stileid.u32  }
0xc1: {  	s1 =	rddreg [dreg:$0x1];
	p0 =	sne.s32 s2, $0x0  }
0xc2: {  	s3 =	rddreg [dreg:$0x2];
	[bflag:$0x3] =	sbarrier.arrive $0xFFFF;
	s2 =	simm.s32 @!p0 $0x1C03  }
0xc3: {  	[timem:s3], [sflag:s2] =	dma.local @!p0 [hbm:s0], s1  }
0xc4: {  	s0 =	simm.s32 @!p0 $0x3  }
0xc5: {  	_ =	swait.ge @!p0 [sflag:s0], s1  }
0xc6: {  	s1 =	ssub.s32 @!p0 $0x0, s1;
	[sflag:s0] =	ssyncset.done @!p0 $0x0  }
0xc7: {  	[sflag:s0] =	ssyncadd.s32 @!p0 s1  }
0xc8: {  	[bflag:$0x3] =	sbarrier.arrive $0xFFFF  }
0xc9: {  	_ =	shalt  }

</sc_bundles>
